<compile_context>
chip_gen: v7x
topology: tpu7x:2x2x1
jax: 0.10.2.dev20260603
libtpu: 0.0.44.dev20260713+nightly
codegen_flags: <defaults>
</compile_context>

<pallas_src>
import functools

import jax
import jax.numpy as jnp
from jax import lax
from jax.experimental import pallas as pl
from jax.experimental.pallas import tpu as pltpu
from jax.experimental.pallas import tpu_sc as plsc

NODE = 1_000_000
MEM = 32
NEV = 16384
TWOB = 2 * NEV
B4 = NEV // 4

NC, NS = 2, 16
NW = NC * NS
G_ROWS = TWOB // NW // 128
R_ROWS = TWOB // NS // 128
R_CHUNK = R_ROWS * 128
WTAB = NODE + 128
TRASH = NODE
ROUNDS = 3

_SC_PARAMS = pltpu.CompilerParams(use_tc_tiling_on_sc=False)


def _sc_mesh():
    return plsc.VectorSubcoreMesh(
        core_axis_name="c", subcore_axis_name="s", num_cores=NC, num_subcores=NS)



@functools.cache
def _make_sc_gather():
    return pl.kernel(
        _sc_gather_body,
        out_type=jax.ShapeDtypeStruct((TWOB, MEM), jnp.float32),
        mesh=_sc_mesh(),
        scratch_types=[
            pltpu.VMEM((G_ROWS, 128), jnp.int32),
            pltpu.VMEM((G_ROWS * 128, MEM), jnp.float32),
            pltpu.SemaphoreType.DMA,
        ],
        compiler_params=_SC_PARAMS,
    )


def _sc_gather_body(mem_hbm, idx_hbm, out_hbm, idx_v, rows_v, sem):
    wid = lax.axis_index("s") * NC + lax.axis_index("c")
    r0 = wid * G_ROWS
    pltpu.sync_copy(idx_hbm.at[pl.ds(r0, G_ROWS)], idx_v)
    cps = [
        pltpu.async_copy(mem_hbm.at[idx_v.at[b]], rows_v.at[pl.ds(b * 128, 128)], sem)
        for b in range(G_ROWS)
    ]
    for c in cps:
        c.wait()
    pltpu.sync_copy(rows_v, out_hbm.at[pl.ds(r0 * 128, G_ROWS * 128)])



NSPLIT = NODE // 2
LTRASH = NSPLIT
LTAB = NSPLIT + 128
R_CH16 = R_CHUNK // 16


@functools.cache
def _make_sc_resolve():
    return pl.kernel(
        _sc_resolve_body,
        out_type=jax.ShapeDtypeStruct((NC, TWOB), jnp.int32),
        mesh=_sc_mesh(),
        scratch_types=[
            pltpu.VMEM_SHARED((LTAB,), jnp.int32),
            pltpu.VMEM((R_CHUNK,), jnp.int32),
            pltpu.VMEM((R_CHUNK,), jnp.int32),
            pltpu.VMEM((R_CHUNK,), jnp.int32),
            pltpu.VMEM((R_CHUNK,), jnp.int32),
            pltpu.SemaphoreType.DMA,
        ],
        compiler_params=_SC_PARAMS,
    )


def _sc_resolve_body(idx_hbm, j_hbm, out_hbm, wtab_sh,
                     li, jv, wv, tv, sem):
    cid = lax.axis_index("c")
    sid = lax.axis_index("s")
    base = cid * NSPLIT
    q0 = sid * R_CHUNK
    pltpu.sync_copy(idx_hbm.at[pl.ds(q0, R_CHUNK)], li)
    pltpu.sync_copy(j_hbm.at[pl.ds(q0, R_CHUNK)], jv)

    def _localize(i, carry):
        sl = pl.ds(i * 16, 16)
        loc = li[sl] - base
        ok = (loc >= 0) & (loc < NSPLIT)
        li[sl] = jnp.where(ok, loc, jnp.full((16,), LTRASH, jnp.int32))
        return carry

    lax.fori_loop(0, R_CH16, _localize, 0)

    pltpu.async_copy(jv, wtab_sh.at[li], sem).wait()
    plsc.subcore_barrier()

    for _ in range(ROUNDS):
        pltpu.async_copy(wtab_sh.at[li], wv, sem).wait()
        plsc.subcore_barrier()

        def _row(i, carry):
            sl = pl.ds(i * 16, 16)
            keep = (jv[sl] > wv[sl]) & (li[sl] < LTRASH)
            tv[sl] = jnp.where(keep, li[sl], jnp.full((16,), LTRASH, jnp.int32))
            return carry

        lax.fori_loop(0, R_CH16, _row, 0)

        pltpu.async_copy(jv, wtab_sh.at[tv], sem).wait()
        plsc.subcore_barrier()

    pltpu.async_copy(wtab_sh.at[li], wv, sem).wait()

    def _san(i, carry):
        sl = pl.ds(i * 16, 16)
        ok = li[sl] < LTRASH
        wv[sl] = jnp.where(ok, wv[sl], jnp.zeros((16,), jnp.int32))
        return carry

    lax.fori_loop(0, R_CH16, _san, 0)

    pltpu.sync_copy(wv, out_hbm.at[cid].at[pl.ds(q0, R_CHUNK)])



_R = 512


def _dense_body(ms_ref, md_ref, tb_ref, w_ref, b_ref, out_ref):
    ms = ms_ref[...]
    md = md_ref[...]
    w = w_ref[...]
    bstk = b_ref[...]

    def mm(x, k):
        return jnp.dot(x, w[k], preferred_element_type=jnp.float32)

    def bias(k):
        return bstk[k:k + 1, :]

    tf = jnp.cos(tb_ref[...] * bias(0) + bias(1))
    t_c = mm(tf, 2) + bias(2)
    msg_s = mm(ms, 0) + mm(md, 1) + t_c
    msg_d = mm(md, 0) + mm(ms, 1) + t_c

    def sig(x):
        return 1.0 / (1.0 + jnp.exp(-x))

    def gru(msg, h):
        r = sig(mm(msg, 3) + bias(3) + mm(h, 6) + bias(6))
        z = sig(mm(msg, 4) + bias(4) + mm(h, 7) + bias(7))
        n = jnp.tanh(mm(msg, 5) + bias(5) + r * (mm(h, 8) + bias(8)))
        return (1.0 - z) * n + z * h

    new_s = gru(msg_s, ms)
    new_d = gru(msg_d, md)
    out_ref[0] = jnp.maximum(mm(new_s, 9) + bias(9), 0.0)
    out_ref[1] = jnp.maximum(mm(new_d, 9) + bias(9), 0.0)


def _tc_dense(ms2, md2, tb2, wstk, bstk):
    grid = B4 // _R
    return pl.pallas_call(
        _dense_body,
        grid=(grid,),
        in_specs=[
            pl.BlockSpec((_R, 128), lambda i: (i, 0)),
            pl.BlockSpec((_R, 128), lambda i: (i, 0)),
            pl.BlockSpec((_R, 128), lambda i: (i, 0)),
            pl.BlockSpec((11, 128, 128), lambda i: (0, 0, 0)),
            pl.BlockSpec((16, 128), lambda i: (0, 0)),
        ],
        out_specs=pl.BlockSpec((2, _R, 128), lambda i: (0, i, 0)),
        out_shape=jax.ShapeDtypeStruct((2, B4, 128), jnp.float32),
    )(ms2, md2, tb2, wstk, bstk)



def _head_body(xs_ref, xd_ref, w_ref, b_ref, out_ref):
    diff = jnp.abs(xs_ref[...] - xd_ref[...])
    out_ref[...] = (
        jnp.dot(diff, w_ref[...][10], preferred_element_type=jnp.float32)
        + b_ref[...][10:11, :])


def _tc_head(xs2, xd2, wstk, bstk):
    grid = B4 // _R
    return pl.pallas_call(
        _head_body,
        grid=(grid,),
        in_specs=[
            pl.BlockSpec((_R, 128), lambda i: (i, 0)),
            pl.BlockSpec((_R, 128), lambda i: (i, 0)),
            pl.BlockSpec((11, 128, 128), lambda i: (0, 0, 0)),
            pl.BlockSpec((16, 128), lambda i: (0, 0)),
        ],
        out_specs=pl.BlockSpec((_R, 128), lambda i: (i, 0)),
        out_shape=jax.ShapeDtypeStruct((B4, 128), jnp.float32),
    )(xs2, xd2, wstk, bstk)



def kernel(src, dst, t, memory, w_t, b_t, W_msg, b_msg, W_ih, W_hh, b_ih, b_hh,
           W_emb, b_emb, W_lin, b_lin):
    cat_flat = jnp.concatenate([src, dst]).astype(jnp.int32)
    cat_idx2d = cat_flat.reshape(TWOB // 128, 128)
    jarr = jnp.arange(TWOB, dtype=jnp.int32)

    ws = jnp.stack([
        W_msg[:, :32].T, W_msg[:, 32:64].T, W_msg[:, 64:].T,
        W_ih[:32, :].T, W_ih[32:64, :].T, W_ih[64:, :].T,
        W_hh[:32, :].T, W_hh[32:64, :].T, W_hh[64:, :].T,
        W_emb.T, W_lin.T,
    ]).astype(jnp.float32)
    eye4 = jnp.eye(4, dtype=jnp.float32)
    wstk = (eye4[None, :, None, :, None] * ws[:, None, :, None, :]).reshape(11, 128, 128)

    def t4(v):
        return jnp.tile(v.astype(jnp.float32), 4)

    bstk = jnp.concatenate([
        jnp.stack([t4(w_t), t4(b_t), t4(b_msg),
                   t4(b_ih[:32]), t4(b_ih[32:64]), t4(b_ih[64:]),
                   t4(b_hh[:32]), t4(b_hh[32:64]), t4(b_hh[64:]),
                   t4(b_emb), t4(b_lin)]),
        jnp.zeros((5, 128), jnp.float32),
    ])

    mem_cat = _make_sc_gather()(memory.astype(jnp.float32), cat_idx2d)
    ms2 = mem_cat[:NEV].reshape(B4, 128)
    md2 = mem_cat[NEV:].reshape(B4, 128)
    tb2 = jnp.repeat(t.astype(jnp.float32), MEM).reshape(B4, 128)

    ecat = _tc_dense(ms2, md2, tb2, wstk, bstk).reshape(TWOB, MEM)

    gvs = _make_sc_resolve()(cat_flat, jarr)
    gv2d = (gvs[0] + gvs[1]).reshape(TWOB // 128, 128)
    xcat = _make_sc_gather()(ecat, gv2d)
    xs2 = xcat[:NEV].reshape(B4, 128)
    xd2 = xcat[NEV:].reshape(B4, 128)

    out2 = _tc_head(xs2, xd2, wstk, bstk)
    return out2.reshape(NEV, MEM)

# --- scband reference (transcript-rebuilt; emitter-appended) ---
"""Pipeline reference for scband-tgnmodel-7069516169600 (READ-ONLY COPY).

The authoritative reference and input builder live on the scoring server;
editing this copy changes nothing except your own understanding.
"""

import jax, jax.numpy as jnp
import numpy as np

NODE_COUNT = 1000000
MEM_DIM = 32
MSG_DIM = 32
EMB_DIM = 32
TIME_DIM = 32
B = 16384


def setup_inputs(seed: int = 0) -> dict:
    key = jax.random.key(seed)
    ks = jax.random.split(key, 16)
    src = jax.random.randint(ks[0], (B,), 0, NODE_COUNT, dtype=jnp.int64) if jax.config.jax_enable_x64 else jax.random.randint(ks[0], (B,), 0, NODE_COUNT, dtype=jnp.int32)
    dst = jax.random.randint(ks[1], (B,), 0, NODE_COUNT, dtype=src.dtype)
    t = jnp.sort(jax.random.randint(ks[2], (B,), 0, 1000000, dtype=src.dtype))
    memory = jax.random.normal(ks[3], (NODE_COUNT, MEM_DIM), dtype=jnp.float32) * 0.1
    w_t = jax.random.normal(ks[4], (TIME_DIM,), dtype=jnp.float32) * 0.01
    b_t = jax.random.normal(ks[5], (TIME_DIM,), dtype=jnp.float32)
    W_msg = jax.random.normal(ks[6], (MSG_DIM, 2 * MEM_DIM + TIME_DIM), dtype=jnp.float32) * 0.05
    b_msg = jnp.zeros((MSG_DIM,), dtype=jnp.float32)
    W_ih = jax.random.normal(ks[7], (3 * MEM_DIM, MSG_DIM), dtype=jnp.float32) * 0.05
    W_hh = jax.random.normal(ks[8], (3 * MEM_DIM, MEM_DIM), dtype=jnp.float32) * 0.05
    b_ih = jnp.zeros((3 * MEM_DIM,), dtype=jnp.float32)
    b_hh = jnp.zeros((3 * MEM_DIM,), dtype=jnp.float32)
    W_emb = jax.random.normal(ks[9], (EMB_DIM, MEM_DIM), dtype=jnp.float32) * 0.05
    b_emb = jnp.zeros((EMB_DIM,), dtype=jnp.float32)
    W_lin = jax.random.normal(ks[10], (EMB_DIM, EMB_DIM), dtype=jnp.float32) * 0.05
    b_lin = jnp.zeros((EMB_DIM,), dtype=jnp.float32)
    return {"src": src, "dst": dst, "t": t, "memory": memory, "w_t": w_t, "b_t": b_t,
            "W_msg": W_msg, "b_msg": b_msg, "W_ih": W_ih, "W_hh": W_hh, "b_ih": b_ih, "b_hh": b_hh,
            "W_emb": W_emb, "b_emb": b_emb, "W_lin": W_lin, "b_lin": b_lin}


def _gru_cell(x, h, W_ih, W_hh, b_ih, b_hh):
    gi = x @ W_ih.T + b_ih
    gh = h @ W_hh.T + b_hh
    i_r, i_z, i_n = jnp.split(gi, 3, axis=-1)
    h_r, h_z, h_n = jnp.split(gh, 3, axis=-1)
    r = jax.nn.sigmoid(i_r + h_r)
    z = jax.nn.sigmoid(i_z + h_z)
    n = jnp.tanh(i_n + r * h_n)
    return (1.0 - z) * n + z * h


def reference(src, dst, t, memory, w_t, b_t, W_msg, b_msg, W_ih, W_hh, b_ih, b_hh, W_emb, b_emb, W_lin, b_lin):
    # TGN: time encoding, message fn, GRU memory update (scatter), embedding from updated memory (gather)
    tf = jnp.cos(t.astype(jnp.float32)[:, None] * w_t[None, :] + b_t[None, :])
    mem_s = memory[src]
    mem_d = memory[dst]
    msg_s = jnp.concatenate([mem_s, mem_d, tf], axis=-1) @ W_msg.T + b_msg
    msg_d = jnp.concatenate([mem_d, mem_s, tf], axis=-1) @ W_msg.T + b_msg
    new_s = _gru_cell(msg_s, mem_s, W_ih, W_hh, b_ih, b_hh)
    new_d = _gru_cell(msg_d, mem_d, W_ih, W_hh, b_ih, b_hh)
    new_memory = memory.at[src].set(new_s).at[dst].set(new_d)
    x_src = jax.nn.relu(new_memory[src] @ W_emb.T + b_emb)
    x_dst = jax.nn.relu(new_memory[dst] @ W_emb.T + b_emb)
    emb_diff = jnp.abs(x_src - x_dst)
    out = emb_diff @ W_lin.T + b_lin
    return out

if __name__ == "__main__":
    import jax
    _d = setup_inputs()
    print(jax.jit(kernel)(*tuple(_d.values())))

</pallas_src>

<mosaic_0001>
#map = affine_map<(d0, d1) -> (0, 0)>
module attributes {stable_mosaic.version = 14 : i64} {
  func.func @_sc_gather_body(%arg0: i32, %arg1: i32, %arg2: memref<1000000x32xf32, #tpu.memory_space<hbm>>, %arg3: memref<256x128xi32, #tpu.memory_space<hbm>>, %arg4: memref<32768x32xf32, #tpu.memory_space<hbm>>, %arg5: memref<8x128xi32, #tpu.memory_space<vmem>>, %arg6: memref<1024x32xf32, #tpu.memory_space<vmem>>, %arg7: memref<!tpu.dma_semaphore, #tpu.memory_space<semaphore_mem>>) attributes {dimension_semantics = [#tpu.dimension_semantics<core_parallel>, #tpu.dimension_semantics<subcore_parallel>], iteration_bounds = array<i64: 2, 16>, scalar_prefetch = 0 : i64, scratch_operands = 3 : i64, tpu.core_type = #tpu.core_type<sc_vector_subcore>, window_params = [{transform_indices = #map}, {transform_indices = #map}, {transform_indices = #map}]} {
    %mul3A = arith.constant 2 : i32
    %mul3A_0 = arith.muli %arg1, %mul3A : i32
    %add3A = arith.addi %mul3A_0, %arg0 : i32
    %mul3A_1 = arith.constant 8 : i32
    %mul3A_2 = arith.muli %add3A, %mul3A_1 : i32
    "tpu.region"() ({
      %run_scoped3A = tpu.sem_alloc : memref<!tpu.dma_semaphore, #tpu.memory_space<semaphore_mem>>
      %dma_start3A_163 = arith.constant 0 : i32
      %dma_start3A_164 = tpu.memref_slice %arg3[%mul3A_2, %dma_start3A_163] : memref<256x128xi32, #tpu.memory_space<hbm>> -> memref<8x128xi32, #tpu.memory_space<hbm>>
      %dma_start3A_165 = arith.constant 0 : i32
      %dma_start3A_166 = tpu.memref_slice %arg3[%mul3A_2, %dma_start3A_165] : memref<256x128xi32, #tpu.memory_space<hbm>> -> memref<8x128xi32, #tpu.memory_space<hbm>>
      tpu.enqueue_dma source(%dma_start3A_166 : memref<8x128xi32, #tpu.memory_space<hbm>>) target(%arg5 : memref<8x128xi32, #tpu.memory_space<vmem>>) target_semaphore(%run_scoped3A : memref<!tpu.dma_semaphore, #tpu.memory_space<semaphore_mem>>)
      %dma_wait3A_167 = arith.constant 0 : i32
      %dma_wait3A_168 = tpu.memref_slice %arg3[%mul3A_2, %dma_wait3A_167] : memref<256x128xi32, #tpu.memory_space<hbm>> -> memref<8x128xi32, #tpu.memory_space<hbm>>
      %dma_wait3A_169 = arith.constant 0 : i32
      %dma_wait3A_170 = tpu.memref_slice %arg3[%mul3A_2, %dma_wait3A_169] : memref<256x128xi32, #tpu.memory_space<hbm>> -> memref<8x128xi32, #tpu.memory_space<hbm>>
      tpu.wait_dma2 semaphore(%run_scoped3A : memref<!tpu.dma_semaphore, #tpu.memory_space<semaphore_mem>>) src(%dma_wait3A_170 : memref<8x128xi32, #tpu.memory_space<hbm>>) dst(%arg5 : memref<8x128xi32, #tpu.memory_space<vmem>>)
      tpu.yield
    }) : () -> ()
    %dma_start3A = arith.constant 0 : i32
    %dma_start3A_3 = arith.constant 0 : i32
    %dma_start3A_4 = arith.constant 0 : i32
    %dma_start3A_5 = tpu.memref_slice %arg6[%dma_start3A_3, %dma_start3A_4] : memref<1024x32xf32, #tpu.memory_space<vmem>> -> memref<128x32xf32, #tpu.memory_space<vmem>>
    %dma_start3A_6 = arith.constant 0 : i32
    %dma_start3A_7 = tpu.memref_slice %arg5[%dma_start3A, %dma_start3A_6] : memref<8x128xi32, #tpu.memory_space<vmem>> -> memref<1x128xi32, #tpu.memory_space<vmem>>
    %dma_start3A_8 = tpu.memref_squeeze %dma_start3A_7 : memref<1x128xi32, #tpu.memory_space<vmem>> -> memref<128xi32, #tpu.memory_space<vmem>>
    %dma_start3A_9 = arith.constant 0 : i32
    %dma_start3A_10 = arith.constant 0 : i32
    %dma_start3A_11 = tpu.memref_slice %arg2[%dma_start3A_9, %dma_start3A_10] : memref<1000000x32xf32, #tpu.memory_space<hbm>> -> memref<1000000x32xf32, #tpu.memory_space<hbm>>
    tpu.enqueue_indirect_dma source(%dma_start3A_11 : memref<1000000x32xf32, #tpu.memory_space<hbm>>) target(%dma_start3A_5 : memref<128x32xf32, #tpu.memory_space<vmem>>) offsets(%dma_start3A_8 : memref<128xi32, #tpu.memory_space<vmem>>) semaphore(%arg7 : memref<!tpu.dma_semaphore, #tpu.memory_space<semaphore_mem>>)
    %dma_start3A_12 = arith.constant 1 : i32
    %dma_start3A_13 = arith.constant 128 : i32
    %dma_start3A_14 = arith.constant 0 : i32
    %dma_start3A_15 = tpu.memref_slice %arg6[%dma_start3A_13, %dma_start3A_14] : memref<1024x32xf32, #tpu.memory_space<vmem>> -> memref<128x32xf32, #tpu.memory_space<vmem>>
    %dma_start3A_16 = arith.constant 0 : i32
    %dma_start3A_17 = tpu.memref_slice %arg5[%dma_start3A_12, %dma_start3A_16] : memref<8x128xi32, #tpu.memory_space<vmem>> -> memref<1x128xi32, #tpu.memory_space<vmem>>
    %dma_start3A_18 = tpu.memref_squeeze %dma_start3A_17 : memref<1x128xi32, #tpu.memory_space<vmem>> -> memref<128xi32, #tpu.memory_space<vmem>>
    %dma_start3A_19 = arith.constant 0 : i32
    %dma_start3A_20 = arith.constant 0 : i32
    %dma_start3A_21 = tpu.memref_slice %arg2[%dma_start3A_19, %dma_start3A_20] : memref<1000000x32xf32, #tpu.memory_space<hbm>> -> memref<1000000x32xf32, #tpu.memory_space<hbm>>
    tpu.enqueue_indirect_dma source(%dma_start3A_21 : memref<1000000x32xf32, #tpu.memory_space<hbm>>) target(%dma_start3A_15 : memref<128x32xf32, #tpu.memory_space<vmem>>) offsets(%dma_start3A_18 : memref<128xi32, #tpu.memory_space<vmem>>) semaphore(%arg7 : memref<!tpu.dma_semaphore, #tpu.memory_space<semaphore_mem>>)
    %dma_start3A_22 = arith.constant 2 : i32
    %dma_start3A_23 = arith.constant 256 : i32
    %dma_start3A_24 = arith.constant 0 : i32
    %dma_start3A_25 = tpu.memref_slice %arg6[%dma_start3A_23, %dma_start3A_24] : memref<1024x32xf32, #tpu.memory_space<vmem>> -> memref<128x32xf32, #tpu.memory_space<vmem>>
    %dma_start3A_26 = arith.constant 0 : i32
    %dma_start3A_27 = tpu.memref_slice %arg5[%dma_start3A_22, %dma_start3A_26] : memref<8x128xi32, #tpu.memory_space<vmem>> -> memref<1x128xi32, #tpu.memory_space<vmem>>
    %dma_start3A_28 = tpu.memref_squeeze %dma_start3A_27 : memref<1x128xi32, #tpu.memory_space<vmem>> -> memref<128xi32, #tpu.memory_space<vmem>>
    %dma_start3A_29 = arith.constant 0 : i32
    %dma_start3A_30 = arith.constant 0 : i32
    %dma_start3A_31 = tpu.memref_slice %arg2[%dma_start3A_29, %dma_start3A_30] : memref<1000000x32xf32, #tpu.memory_space<hbm>> -> memref<1000000x32xf32, #tpu.memory_space<hbm>>
    tpu.enqueue_indirect_dma source(%dma_start3A_31 : memref<1000000x32xf32, #tpu.memory_space<hbm>>) target(%dma_start3A_25 : memref<128x32xf32, #tpu.memory_space<vmem>>) offsets(%dma_start3A_28 : memref<128xi32, #tpu.memory_space<vmem>>) semaphore(%arg7 : memref<!tpu.dma_semaphore, #tpu.memory_space<semaphore_mem>>)
    %dma_start3A_32 = arith.constant 3 : i32
    %dma_start3A_33 = arith.constant 384 : i32
    %dma_start3A_34 = arith.constant 0 : i32
    %dma_start3A_35 = tpu.memref_slice %arg6[%dma_start3A_33, %dma_start3A_34] : memref<1024x32xf32, #tpu.memory_space<vmem>> -> memref<128x32xf32, #tpu.memory_space<vmem>>
    %dma_start3A_36 = arith.constant 0 : i32
    %dma_start3A_37 = tpu.memref_slice %arg5[%dma_start3A_32, %dma_start3A_36] : memref<8x128xi32, #tpu.memory_space<vmem>> -> memref<1x128xi32, #tpu.memory_space<vmem>>
    %dma_start3A_38 = tpu.memref_squeeze %dma_start3A_37 : memref<1x128xi32, #tpu.memory_space<vmem>> -> memref<128xi32, #tpu.memory_space<vmem>>
    %dma_start3A_39 = arith.constant 0 : i32
    %dma_start3A_40 = arith.constant 0 : i32
    %dma_start3A_41 = tpu.memref_slice %arg2[%dma_start3A_39, %dma_start3A_40] : memref<1000000x32xf32, #tpu.memory_space<hbm>> -> memref<1000000x32xf32, #tpu.memory_space<hbm>>
    tpu.enqueue_indirect_dma source(%dma_start3A_41 : memref<1000000x32xf32, #tpu.memory_space<hbm>>) target(%dma_start3A_35 : memref<128x32xf32, #tpu.memory_space<vmem>>) offsets(%dma_start3A_38 : memref<128xi32, #tpu.memory_space<vmem>>) semaphore(%arg7 : memref<!tpu.dma_semaphore, #tpu.memory_space<semaphore_mem>>)
    %dma_start3A_42 = arith.constant 4 : i32
    %dma_start3A_43 = arith.constant 512 : i32
    %dma_start3A_44 = arith.constant 0 : i32
    %dma_start3A_45 = tpu.memref_slice %arg6[%dma_start3A_43, %dma_start3A_44] : memref<1024x32xf32, #tpu.memory_space<vmem>> -> memref<128x32xf32, #tpu.memory_space<vmem>>
    %dma_start3A_46 = arith.constant 0 : i32
    %dma_start3A_47 = tpu.memref_slice %arg5[%dma_start3A_42, %dma_start3A_46] : memref<8x128xi32, #tpu.memory_space<vmem>> -> memref<1x128xi32, #tpu.memory_space<vmem>>
    %dma_start3A_48 = tpu.memref_squeeze %dma_start3A_47 : memref<1x128xi32, #tpu.memory_space<vmem>> -> memref<128xi32, #tpu.memory_space<vmem>>
    %dma_start3A_49 = arith.constant 0 : i32
    %dma_start3A_50 = arith.constant 0 : i32
    %dma_start3A_51 = tpu.memref_slice %arg2[%dma_start3A_49, %dma_start3A_50] : memref<1000000x32xf32, #tpu.memory_space<hbm>> -> memref<1000000x32xf32, #tpu.memory_space<hbm>>
    tpu.enqueue_indirect_dma source(%dma_start3A_51 : memref<1000000x32xf32, #tpu.memory_space<hbm>>) target(%dma_start3A_45 : memref<128x32xf32, #tpu.memory_space<vmem>>) offsets(%dma_start3A_48 : memref<128xi32, #tpu.memory_space<vmem>>) semaphore(%arg7 : memref<!tpu.dma_semaphore, #tpu.memory_space<semaphore_mem>>)
    %dma_start3A_52 = arith.constant 5 : i32
    %dma_start3A_53 = arith.constant 640 : i32
    %dma_start3A_54 = arith.constant 0 : i32
    %dma_start3A_55 = tpu.memref_slice %arg6[%dma_start3A_53, %dma_start3A_54] : memref<1024x32xf32, #tpu.memory_space<vmem>> -> memref<128x32xf32, #tpu.memory_space<vmem>>
    %dma_start3A_56 = arith.constant 0 : i32
    %dma_start3A_57 = tpu.memref_slice %arg5[%dma_start3A_52, %dma_start3A_56] : memref<8x128xi32, #tpu.memory_space<vmem>> -> memref<1x128xi32, #tpu.memory_space<vmem>>
    %dma_start3A_58 = tpu.memref_squeeze %dma_start3A_57 : memref<1x128xi32, #tpu.memory_space<vmem>> -> memref<128xi32, #tpu.memory_space<vmem>>
    %dma_start3A_59 = arith.constant 0 : i32
    %dma_start3A_60 = arith.constant 0 : i32
    %dma_start3A_61 = tpu.memref_slice %arg2[%dma_start3A_59, %dma_start3A_60] : memref<1000000x32xf32, #tpu.memory_space<hbm>> -> memref<1000000x32xf32, #tpu.memory_space<hbm>>
    tpu.enqueue_indirect_dma source(%dma_start3A_61 : memref<1000000x32xf32, #tpu.memory_space<hbm>>) target(%dma_start3A_55 : memref<128x32xf32, #tpu.memory_space<vmem>>) offsets(%dma_start3A_58 : memref<128xi32, #tpu.memory_space<vmem>>) semaphore(%arg7 : memref<!tpu.dma_semaphore, #tpu.memory_space<semaphore_mem>>)
    %dma_start3A_62 = arith.constant 6 : i32
    %dma_start3A_63 = arith.constant 768 : i32
    %dma_start3A_64 = arith.constant 0 : i32
    %dma_start3A_65 = tpu.memref_slice %arg6[%dma_start3A_63, %dma_start3A_64] : memref<1024x32xf32, #tpu.memory_space<vmem>> -> memref<128x32xf32, #tpu.memory_space<vmem>>
    %dma_start3A_66 = arith.constant 0 : i32
    %dma_start3A_67 = tpu.memref_slice %arg5[%dma_start3A_62, %dma_start3A_66] : memref<8x128xi32, #tpu.memory_space<vmem>> -> memref<1x128xi32, #tpu.memory_space<vmem>>
    %dma_start3A_68 = tpu.memref_squeeze %dma_start3A_67 : memref<1x128xi32, #tpu.memory_space<vmem>> -> memref<128xi32, #tpu.memory_space<vmem>>
    %dma_start3A_69 = arith.constant 0 : i32
    %dma_start3A_70 = arith.constant 0 : i32
    %dma_start3A_71 = tpu.memref_slice %arg2[%dma_start3A_69, %dma_start3A_70] : memref<1000000x32xf32, #tpu.memory_space<hbm>> -> memref<1000000x32xf32, #tpu.memory_space<hbm>>
    tpu.enqueue_indirect_dma source(%dma_start3A_71 : memref<1000000x32xf32, #tpu.memory_space<hbm>>) target(%dma_start3A_65 : memref<128x32xf32, #tpu.memory_space<vmem>>) offsets(%dma_start3A_68 : memref<128xi32, #tpu.memory_space<vmem>>) semaphore(%arg7 : memref<!tpu.dma_semaphore, #tpu.memory_space<semaphore_mem>>)
    %dma_start3A_72 = arith.constant 7 : i32
    %dma_start3A_73 = arith.constant 896 : i32
    %dma_start3A_74 = arith.constant 0 : i32
    %dma_start3A_75 = tpu.memref_slice %arg6[%dma_start3A_73, %dma_start3A_74] : memref<1024x32xf32, #tpu.memory_space<vmem>> -> memref<128x32xf32, #tpu.memory_space<vmem>>
    %dma_start3A_76 = arith.constant 0 : i32
    %dma_start3A_77 = tpu.memref_slice %arg5[%dma_start3A_72, %dma_start3A_76] : memref<8x128xi32, #tpu.memory_space<vmem>> -> memref<1x128xi32, #tpu.memory_space<vmem>>
    %dma_start3A_78 = tpu.memref_squeeze %dma_start3A_77 : memref<1x128xi32, #tpu.memory_space<vmem>> -> memref<128xi32, #tpu.memory_space<vmem>>
    %dma_start3A_79 = arith.constant 0 : i32
    %dma_start3A_80 = arith.constant 0 : i32
    %dma_start3A_81 = tpu.memref_slice %arg2[%dma_start3A_79, %dma_start3A_80] : memref<1000000x32xf32, #tpu.memory_space<hbm>> -> memref<1000000x32xf32, #tpu.memory_space<hbm>>
    tpu.enqueue_indirect_dma source(%dma_start3A_81 : memref<1000000x32xf32, #tpu.memory_space<hbm>>) target(%dma_start3A_75 : memref<128x32xf32, #tpu.memory_space<vmem>>) offsets(%dma_start3A_78 : memref<128xi32, #tpu.memory_space<vmem>>) semaphore(%arg7 : memref<!tpu.dma_semaphore, #tpu.memory_space<semaphore_mem>>)
    %dma_wait3A = arith.constant 0 : i32
    %dma_wait3A_82 = arith.constant 0 : i32
    %dma_wait3A_83 = arith.constant 0 : i32
    %dma_wait3A_84 = tpu.memref_slice %arg6[%dma_wait3A_82, %dma_wait3A_83] : memref<1024x32xf32, #tpu.memory_space<vmem>> -> memref<128x32xf32, #tpu.memory_space<vmem>>
    %dma_wait3A_85 = arith.constant 0 : i32
    %dma_wait3A_86 = tpu.memref_slice %arg5[%dma_wait3A, %dma_wait3A_85] : memref<8x128xi32, #tpu.memory_space<vmem>> -> memref<1x128xi32, #tpu.memory_space<vmem>>
    %dma_wait3A_87 = tpu.memref_squeeze %dma_wait3A_86 : memref<1x128xi32, #tpu.memory_space<vmem>> -> memref<128xi32, #tpu.memory_space<vmem>>
    %dma_wait3A_88 = arith.constant 0 : i32
    %dma_wait3A_89 = arith.constant 0 : i32
    %dma_wait3A_90 = tpu.memref_slice %arg2[%dma_wait3A_88, %dma_wait3A_89] : memref<1000000x32xf32, #tpu.memory_space<hbm>> -> memref<1000000x32xf32, #tpu.memory_space<hbm>>
    tpu.wait_indirect_dma semaphore(%arg7 : memref<!tpu.dma_semaphore, #tpu.memory_space<semaphore_mem>>) src(%dma_wait3A_90 : memref<1000000x32xf32, #tpu.memory_space<hbm>>) dst(%dma_wait3A_84 : memref<128x32xf32, #tpu.memory_space<vmem>>)
    %dma_wait3A_91 = arith.constant 1 : i32
    %dma_wait3A_92 = arith.constant 128 : i32
    %dma_wait3A_93 = arith.constant 0 : i32
    %dma_wait3A_94 = tpu.memref_slice %arg6[%dma_wait3A_92, %dma_wait3A_93] : memref<1024x32xf32, #tpu.memory_space<vmem>> -> memref<128x32xf32, #tpu.memory_space<vmem>>
    %dma_wait3A_95 = arith.constant 0 : i32
    %dma_wait3A_96 = tpu.memref_slice %arg5[%dma_wait3A_91, %dma_wait3A_95] : memref<8x128xi32, #tpu.memory_space<vmem>> -> memref<1x128xi32, #tpu.memory_space<vmem>>
    %dma_wait3A_97 = tpu.memref_squeeze %dma_wait3A_96 : memref<1x128xi32, #tpu.memory_space<vmem>> -> memref<128xi32, #tpu.memory_space<vmem>>
    %dma_wait3A_98 = arith.constant 0 : i32
    %dma_wait3A_99 = arith.constant 0 : i32
    %dma_wait3A_100 = tpu.memref_slice %arg2[%dma_wait3A_98, %dma_wait3A_99] : memref<1000000x32xf32, #tpu.memory_space<hbm>> -> memref<1000000x32xf32, #tpu.memory_space<hbm>>
    tpu.wait_indirect_dma semaphore(%arg7 : memref<!tpu.dma_semaphore, #tpu.memory_space<semaphore_mem>>) src(%dma_wait3A_100 : memref<1000000x32xf32, #tpu.memory_space<hbm>>) dst(%dma_wait3A_94 : memref<128x32xf32, #tpu.memory_space<vmem>>)
    %dma_wait3A_101 = arith.constant 2 : i32
    %dma_wait3A_102 = arith.constant 256 : i32
    %dma_wait3A_103 = arith.constant 0 : i32
    %dma_wait3A_104 = tpu.memref_slice %arg6[%dma_wait3A_102, %dma_wait3A_103] : memref<1024x32xf32, #tpu.memory_space<vmem>> -> memref<128x32xf32, #tpu.memory_space<vmem>>
    %dma_wait3A_105 = arith.constant 0 : i32
    %dma_wait3A_106 = tpu.memref_slice %arg5[%dma_wait3A_101, %dma_wait3A_105] : memref<8x128xi32, #tpu.memory_space<vmem>> -> memref<1x128xi32, #tpu.memory_space<vmem>>
    %dma_wait3A_107 = tpu.memref_squeeze %dma_wait3A_106 : memref<1x128xi32, #tpu.memory_space<vmem>> -> memref<128xi32, #tpu.memory_space<vmem>>
    %dma_wait3A_108 = arith.constant 0 : i32
    %dma_wait3A_109 = arith.constant 0 : i32
    %dma_wait3A_110 = tpu.memref_slice %arg2[%dma_wait3A_108, %dma_wait3A_109] : memref<1000000x32xf32, #tpu.memory_space<hbm>> -> memref<1000000x32xf32, #tpu.memory_space<hbm>>
    tpu.wait_indirect_dma semaphore(%arg7 : memref<!tpu.dma_semaphore, #tpu.memory_space<semaphore_mem>>) src(%dma_wait3A_110 : memref<1000000x32xf32, #tpu.memory_space<hbm>>) dst(%dma_wait3A_104 : memref<128x32xf32, #tpu.memory_space<vmem>>)
    %dma_wait3A_111 = arith.constant 3 : i32
    %dma_wait3A_112 = arith.constant 384 : i32
    %dma_wait3A_113 = arith.constant 0 : i32
    %dma_wait3A_114 = tpu.memref_slice %arg6[%dma_wait3A_112, %dma_wait3A_113] : memref<1024x32xf32, #tpu.memory_space<vmem>> -> memref<128x32xf32, #tpu.memory_space<vmem>>
    %dma_wait3A_115 = arith.constant 0 : i32
    %dma_wait3A_116 = tpu.memref_slice %arg5[%dma_wait3A_111, %dma_wait3A_115] : memref<8x128xi32, #tpu.memory_space<vmem>> -> memref<1x128xi32, #tpu.memory_space<vmem>>
    %dma_wait3A_117 = tpu.memref_squeeze %dma_wait3A_116 : memref<1x128xi32, #tpu.memory_space<vmem>> -> memref<128xi32, #tpu.memory_space<vmem>>
    %dma_wait3A_118 = arith.constant 0 : i32
    %dma_wait3A_119 = arith.constant 0 : i32
    %dma_wait3A_120 = tpu.memref_slice %arg2[%dma_wait3A_118, %dma_wait3A_119] : memref<1000000x32xf32, #tpu.memory_space<hbm>> -> memref<1000000x32xf32, #tpu.memory_space<hbm>>
    tpu.wait_indirect_dma semaphore(%arg7 : memref<!tpu.dma_semaphore, #tpu.memory_space<semaphore_mem>>) src(%dma_wait3A_120 : memref<1000000x32xf32, #tpu.memory_space<hbm>>) dst(%dma_wait3A_114 : memref<128x32xf32, #tpu.memory_space<vmem>>)
    %dma_wait3A_121 = arith.constant 4 : i32
    %dma_wait3A_122 = arith.constant 512 : i32
    %dma_wait3A_123 = arith.constant 0 : i32
    %dma_wait3A_124 = tpu.memref_slice %arg6[%dma_wait3A_122, %dma_wait3A_123] : memref<1024x32xf32, #tpu.memory_space<vmem>> -> memref<128x32xf32, #tpu.memory_space<vmem>>
    %dma_wait3A_125 = arith.constant 0 : i32
    %dma_wait3A_126 = tpu.memref_slice %arg5[%dma_wait3A_121, %dma_wait3A_125] : memref<8x128xi32, #tpu.memory_space<vmem>> -> memref<1x128xi32, #tpu.memory_space<vmem>>
    %dma_wait3A_127 = tpu.memref_squeeze %dma_wait3A_126 : memref<1x128xi32, #tpu.memory_space<vmem>> -> memref<128xi32, #tpu.memory_space<vmem>>
    %dma_wait3A_128 = arith.constant 0 : i32
    %dma_wait3A_129 = arith.constant 0 : i32
    %dma_wait3A_130 = tpu.memref_slice %arg2[%dma_wait3A_128, %dma_wait3A_129] : memref<1000000x32xf32, #tpu.memory_space<hbm>> -> memref<1000000x32xf32, #tpu.memory_space<hbm>>
    tpu.wait_indirect_dma semaphore(%arg7 : memref<!tpu.dma_semaphore, #tpu.memory_space<semaphore_mem>>) src(%dma_wait3A_130 : memref<1000000x32xf32, #tpu.memory_space<hbm>>) dst(%dma_wait3A_124 : memref<128x32xf32, #tpu.memory_space<vmem>>)
    %dma_wait3A_131 = arith.constant 5 : i32
    %dma_wait3A_132 = arith.constant 640 : i32
    %dma_wait3A_133 = arith.constant 0 : i32
    %dma_wait3A_134 = tpu.memref_slice %arg6[%dma_wait3A_132, %dma_wait3A_133] : memref<1024x32xf32, #tpu.memory_space<vmem>> -> memref<128x32xf32, #tpu.memory_space<vmem>>
    %dma_wait3A_135 = arith.constant 0 : i32
    %dma_wait3A_136 = tpu.memref_slice %arg5[%dma_wait3A_131, %dma_wait3A_135] : memref<8x128xi32, #tpu.memory_space<vmem>> -> memref<1x128xi32, #tpu.memory_space<vmem>>
    %dma_wait3A_137 = tpu.memref_squeeze %dma_wait3A_136 : memref<1x128xi32, #tpu.memory_space<vmem>> -> memref<128xi32, #tpu.memory_space<vmem>>
    %dma_wait3A_138 = arith.constant 0 : i32
    %dma_wait3A_139 = arith.constant 0 : i32
    %dma_wait3A_140 = tpu.memref_slice %arg2[%dma_wait3A_138, %dma_wait3A_139] : memref<1000000x32xf32, #tpu.memory_space<hbm>> -> memref<1000000x32xf32, #tpu.memory_space<hbm>>
    tpu.wait_indirect_dma semaphore(%arg7 : memref<!tpu.dma_semaphore, #tpu.memory_space<semaphore_mem>>) src(%dma_wait3A_140 : memref<1000000x32xf32, #tpu.memory_space<hbm>>) dst(%dma_wait3A_134 : memref<128x32xf32, #tpu.memory_space<vmem>>)
    %dma_wait3A_141 = arith.constant 6 : i32
    %dma_wait3A_142 = arith.constant 768 : i32
    %dma_wait3A_143 = arith.constant 0 : i32
    %dma_wait3A_144 = tpu.memref_slice %arg6[%dma_wait3A_142, %dma_wait3A_143] : memref<1024x32xf32, #tpu.memory_space<vmem>> -> memref<128x32xf32, #tpu.memory_space<vmem>>
    %dma_wait3A_145 = arith.constant 0 : i32
    %dma_wait3A_146 = tpu.memref_slice %arg5[%dma_wait3A_141, %dma_wait3A_145] : memref<8x128xi32, #tpu.memory_space<vmem>> -> memref<1x128xi32, #tpu.memory_space<vmem>>
    %dma_wait3A_147 = tpu.memref_squeeze %dma_wait3A_146 : memref<1x128xi32, #tpu.memory_space<vmem>> -> memref<128xi32, #tpu.memory_space<vmem>>
    %dma_wait3A_148 = arith.constant 0 : i32
    %dma_wait3A_149 = arith.constant 0 : i32
    %dma_wait3A_150 = tpu.memref_slice %arg2[%dma_wait3A_148, %dma_wait3A_149] : memref<1000000x32xf32, #tpu.memory_space<hbm>> -> memref<1000000x32xf32, #tpu.memory_space<hbm>>
    tpu.wait_indirect_dma semaphore(%arg7 : memref<!tpu.dma_semaphore, #tpu.memory_space<semaphore_mem>>) src(%dma_wait3A_150 : memref<1000000x32xf32, #tpu.memory_space<hbm>>) dst(%dma_wait3A_144 : memref<128x32xf32, #tpu.memory_space<vmem>>)
    %dma_wait3A_151 = arith.constant 7 : i32
    %dma_wait3A_152 = arith.constant 896 : i32
    %dma_wait3A_153 = arith.constant 0 : i32
    %dma_wait3A_154 = tpu.memref_slice %arg6[%dma_wait3A_152, %dma_wait3A_153] : memref<1024x32xf32, #tpu.memory_space<vmem>> -> memref<128x32xf32, #tpu.memory_space<vmem>>
    %dma_wait3A_155 = arith.constant 0 : i32
    %dma_wait3A_156 = tpu.memref_slice %arg5[%dma_wait3A_151, %dma_wait3A_155] : memref<8x128xi32, #tpu.memory_space<vmem>> -> memref<1x128xi32, #tpu.memory_space<vmem>>
    %dma_wait3A_157 = tpu.memref_squeeze %dma_wait3A_156 : memref<1x128xi32, #tpu.memory_space<vmem>> -> memref<128xi32, #tpu.memory_space<vmem>>
    %dma_wait3A_158 = arith.constant 0 : i32
    %dma_wait3A_159 = arith.constant 0 : i32
    %dma_wait3A_160 = tpu.memref_slice %arg2[%dma_wait3A_158, %dma_wait3A_159] : memref<1000000x32xf32, #tpu.memory_space<hbm>> -> memref<1000000x32xf32, #tpu.memory_space<hbm>>
    tpu.wait_indirect_dma semaphore(%arg7 : memref<!tpu.dma_semaphore, #tpu.memory_space<semaphore_mem>>) src(%dma_wait3A_160 : memref<1000000x32xf32, #tpu.memory_space<hbm>>) dst(%dma_wait3A_154 : memref<128x32xf32, #tpu.memory_space<vmem>>)
    %mul3A_161 = arith.constant 128 : i32
    %mul3A_162 = arith.muli %mul3A_2, %mul3A_161 : i32
    "tpu.region"() ({
      %run_scoped3A = tpu.sem_alloc : memref<!tpu.dma_semaphore, #tpu.memory_space<semaphore_mem>>
      %dma_start3A_163 = arith.constant 0 : i32
      %dma_start3A_164 = tpu.memref_slice %arg4[%mul3A_162, %dma_start3A_163] : memref<32768x32xf32, #tpu.memory_space<hbm>> -> memref<1024x32xf32, #tpu.memory_space<hbm>>
      %dma_start3A_165 = arith.constant 0 : i32
      %dma_start3A_166 = tpu.memref_slice %arg4[%mul3A_162, %dma_start3A_165] : memref<32768x32xf32, #tpu.memory_space<hbm>> -> memref<1024x32xf32, #tpu.memory_space<hbm>>
      tpu.enqueue_dma source(%arg6 : memref<1024x32xf32, #tpu.memory_space<vmem>>) target(%dma_start3A_166 : memref<1024x32xf32, #tpu.memory_space<hbm>>) target_semaphore(%run_scoped3A : memref<!tpu.dma_semaphore, #tpu.memory_space<semaphore_mem>>)
      %dma_wait3A_167 = arith.constant 0 : i32
      %dma_wait3A_168 = tpu.memref_slice %arg4[%mul3A_162, %dma_wait3A_167] : memref<32768x32xf32, #tpu.memory_space<hbm>> -> memref<1024x32xf32, #tpu.memory_space<hbm>>
      %dma_wait3A_169 = arith.constant 0 : i32
      %dma_wait3A_170 = tpu.memref_slice %arg4[%mul3A_162, %dma_wait3A_169] : memref<32768x32xf32, #tpu.memory_space<hbm>> -> memref<1024x32xf32, #tpu.memory_space<hbm>>
      tpu.wait_dma2 semaphore(%run_scoped3A : memref<!tpu.dma_semaphore, #tpu.memory_space<semaphore_mem>>) src(%arg6 : memref<1024x32xf32, #tpu.memory_space<vmem>>) dst(%dma_wait3A_170 : memref<1024x32xf32, #tpu.memory_space<hbm>>)
      tpu.yield
    }) : () -> ()
    return
  }
}

#map = affine_map<(d0, d1) -> (0)>
#map1 = affine_map<(d0, d1) -> (0, 0)>
module attributes {stable_mosaic.version = 14 : i64} {
  func.func @_sc_resolve_body(%arg0: i32, %arg1: i32, %arg2: memref<32768xi32, #tpu.memory_space<hbm>>, %arg3: memref<32768xi32, #tpu.memory_space<hbm>>, %arg4: memref<2x32768xi32, #tpu.memory_space<hbm>>, %arg5: memref<500128xi32, #tpu.memory_space<vmem_shared>>, %arg6: memref<2048xi32, #tpu.memory_space<vmem>>, %arg7: memref<2048xi32, #tpu.memory_space<vmem>>, %arg8: memref<2048xi32, #tpu.memory_space<vmem>>, %arg9: memref<2048xi32, #tpu.memory_space<vmem>>, %arg10: memref<!tpu.dma_semaphore, #tpu.memory_space<semaphore_mem>>) attributes {dimension_semantics = [#tpu.dimension_semantics<core_parallel>, #tpu.dimension_semantics<subcore_parallel>], iteration_bounds = array<i64: 2, 16>, scalar_prefetch = 0 : i64, scratch_operands = 6 : i64, tpu.core_type = #tpu.core_type<sc_vector_subcore>, window_params = [{transform_indices = #map}, {transform_indices = #map}, {transform_indices = #map1}]} {
    %mul3A = arith.constant 500000 : i32
    %mul3A_0 = arith.muli %arg0, %mul3A : i32
    %mul3A_1 = arith.constant 2048 : i32
    %mul3A_2 = arith.muli %arg1, %mul3A_1 : i32
    "tpu.region"() ({
      %run_scoped3A = tpu.sem_alloc : memref<!tpu.dma_semaphore, #tpu.memory_space<semaphore_mem>>
      %dma_start3A_68 = tpu.memref_slice %arg2[%mul3A_2] : memref<32768xi32, #tpu.memory_space<hbm>> -> memref<2048xi32, #tpu.memory_space<hbm>>
      %dma_start3A_69 = tpu.memref_slice %arg2[%mul3A_2] : memref<32768xi32, #tpu.memory_space<hbm>> -> memref<2048xi32, #tpu.memory_space<hbm>>
      tpu.enqueue_dma source(%dma_start3A_69 : memref<2048xi32, #tpu.memory_space<hbm>>) target(%arg6 : memref<2048xi32, #tpu.memory_space<vmem>>) target_semaphore(%run_scoped3A : memref<!tpu.dma_semaphore, #tpu.memory_space<semaphore_mem>>)
      %dma_wait3A_70 = tpu.memref_slice %arg2[%mul3A_2] : memref<32768xi32, #tpu.memory_space<hbm>> -> memref<2048xi32, #tpu.memory_space<hbm>>
      %dma_wait3A_71 = tpu.memref_slice %arg2[%mul3A_2] : memref<32768xi32, #tpu.memory_space<hbm>> -> memref<2048xi32, #tpu.memory_space<hbm>>
      tpu.wait_dma2 semaphore(%run_scoped3A : memref<!tpu.dma_semaphore, #tpu.memory_space<semaphore_mem>>) src(%dma_wait3A_71 : memref<2048xi32, #tpu.memory_space<hbm>>) dst(%arg6 : memref<2048xi32, #tpu.memory_space<vmem>>)
      tpu.yield
    }) : () -> ()
    "tpu.region"() ({
      %run_scoped3A = tpu.sem_alloc : memref<!tpu.dma_semaphore, #tpu.memory_space<semaphore_mem>>
      %dma_start3A_68 = tpu.memref_slice %arg3[%mul3A_2] : memref<32768xi32, #tpu.memory_space<hbm>> -> memref<2048xi32, #tpu.memory_space<hbm>>
      %dma_start3A_69 = tpu.memref_slice %arg3[%mul3A_2] : memref<32768xi32, #tpu.memory_space<hbm>> -> memref<2048xi32, #tpu.memory_space<hbm>>
      tpu.enqueue_dma source(%dma_start3A_69 : memref<2048xi32, #tpu.memory_space<hbm>>) target(%arg7 : memref<2048xi32, #tpu.memory_space<vmem>>) target_semaphore(%run_scoped3A : memref<!tpu.dma_semaphore, #tpu.memory_space<semaphore_mem>>)
      %dma_wait3A_70 = tpu.memref_slice %arg3[%mul3A_2] : memref<32768xi32, #tpu.memory_space<hbm>> -> memref<2048xi32, #tpu.memory_space<hbm>>
      %dma_wait3A_71 = tpu.memref_slice %arg3[%mul3A_2] : memref<32768xi32, #tpu.memory_space<hbm>> -> memref<2048xi32, #tpu.memory_space<hbm>>
      tpu.wait_dma2 semaphore(%run_scoped3A : memref<!tpu.dma_semaphore, #tpu.memory_space<semaphore_mem>>) src(%dma_wait3A_71 : memref<2048xi32, #tpu.memory_space<hbm>>) dst(%arg7 : memref<2048xi32, #tpu.memory_space<vmem>>)
      tpu.yield
    }) : () -> ()
    %scan3A = arith.constant 0 : i32
    %scan3A_3 = arith.constant 0 : i32
    %scan3A_4 = arith.constant 128 : i32
    %scan3A_5 = arith.addi %scan3A_3, %scan3A_4 : i32
    %scan3A_6 = arith.constant 1 : i32
    scf.for %scan3A_68 = %scan3A_3 to %scan3A_5 step %scan3A_6  : i32 {
      %mul3A_69 = arith.constant 16 : i32
      %mul3A_70 = arith.muli %scan3A_68, %mul3A_69 : i32
      %get3A = arith.index_cast %mul3A_70 : i32 to index
      %get3A_71 = tpu.vector_load %arg6[%get3A] {strides = array<i32>} : memref<2048xi32, #tpu.memory_space<vmem>>, vector<16xi32>,
      %get3A_72 = vector.shape_cast %get3A_71 : vector<16xi32> to vector<16xi32>
      %sub3A = vector.broadcast %mul3A_0 : i32 to vector<16xi32>
      %sub3A_73 = arith.subi %get3A_72, %sub3A : vector<16xi32>
      %ge3A = arith.constant 0 : i32
      %ge3A_74 = vector.broadcast %ge3A : i32 to vector<16xi32>
      %ge3A_75 = arith.cmpi sge, %sub3A_73, %ge3A_74 : vector<16xi32>
      %lt3A = arith.constant 500000 : i32
      %lt3A_76 = vector.broadcast %lt3A : i32 to vector<16xi32>
      %lt3A_77 = arith.cmpi slt, %sub3A_73, %lt3A_76 : vector<16xi32>
      %and3A = arith.andi %ge3A_75, %lt3A_77 : vector<16xi1>
      %broadcast_in_dim3A = arith.constant 500000 : i32
      %broadcast_in_dim3A_78 = vector.broadcast %broadcast_in_dim3A : i32 to vector<16xi32>
      %select_n3A = arith.select %and3A, %sub3A_73, %broadcast_in_dim3A_78 : vector<16xi1>, vector<16xi32>
      %swap3A = arith.index_cast %mul3A_70 : i32 to index
      %swap3A_79 = tpu.vector_load %arg6[%swap3A] {strides = array<i32>} : memref<2048xi32, #tpu.memory_space<vmem>>, vector<16xi32>,
      %swap3A_80 = vector.shape_cast %swap3A_79 : vector<16xi32> to vector<16xi32>
      %swap3A_81 = vector.shape_cast %select_n3A : vector<16xi32> to vector<16xi32>
      tpu.vector_store %arg6[%swap3A], %swap3A_81 {strides = array<i32>} : memref<2048xi32, #tpu.memory_space<vmem>>, vector<16xi32>,
    }
    %scan3A_7 = arith.constant 128 : i32
    %dma_start3A = arith.constant 0 : i32
    %dma_start3A_8 = tpu.memref_slice %arg5[%dma_start3A] : memref<500128xi32, #tpu.memory_space<vmem_shared>> -> memref<500128xi32, #tpu.memory_space<vmem_shared>>
    tpu.enqueue_indirect_dma source(%arg7 : memref<2048xi32, #tpu.memory_space<vmem>>) target(%dma_start3A_8 : memref<500128xi32, #tpu.memory_space<vmem_shared>>) offsets(%arg6 : memref<2048xi32, #tpu.memory_space<vmem>>) semaphore(%arg10 : memref<!tpu.dma_semaphore, #tpu.memory_space<semaphore_mem>>)
    %dma_wait3A = arith.constant 0 : i32
    %dma_wait3A_9 = tpu.memref_slice %arg5[%dma_wait3A] : memref<500128xi32, #tpu.memory_space<vmem_shared>> -> memref<500128xi32, #tpu.memory_space<vmem_shared>>
    tpu.wait_indirect_dma semaphore(%arg10 : memref<!tpu.dma_semaphore, #tpu.memory_space<semaphore_mem>>) src(%arg7 : memref<2048xi32, #tpu.memory_space<vmem>>) dst(%dma_wait3A_9 : memref<500128xi32, #tpu.memory_space<vmem_shared>>)
    %barrier3A = arith.constant 0 : index
    tpu.barrier barrier_id(%barrier3A)
    %dma_start3A_10 = arith.constant 0 : i32
    %dma_start3A_11 = tpu.memref_slice %arg5[%dma_start3A_10] : memref<500128xi32, #tpu.memory_space<vmem_shared>> -> memref<500128xi32, #tpu.memory_space<vmem_shared>>
    tpu.enqueue_indirect_dma source(%dma_start3A_11 : memref<500128xi32, #tpu.memory_space<vmem_shared>>) target(%arg8 : memref<2048xi32, #tpu.memory_space<vmem>>) offsets(%arg6 : memref<2048xi32, #tpu.memory_space<vmem>>) semaphore(%arg10 : memref<!tpu.dma_semaphore, #tpu.memory_space<semaphore_mem>>)
    %dma_wait3A_12 = arith.constant 0 : i32
    %dma_wait3A_13 = tpu.memref_slice %arg5[%dma_wait3A_12] : memref<500128xi32, #tpu.memory_space<vmem_shared>> -> memref<500128xi32, #tpu.memory_space<vmem_shared>>
    tpu.wait_indirect_dma semaphore(%arg10 : memref<!tpu.dma_semaphore, #tpu.memory_space<semaphore_mem>>) src(%dma_wait3A_13 : memref<500128xi32, #tpu.memory_space<vmem_shared>>) dst(%arg8 : memref<2048xi32, #tpu.memory_space<vmem>>)
    %barrier3A_14 = arith.constant 0 : index
    tpu.barrier barrier_id(%barrier3A_14)
    %scan3A_15 = arith.constant 0 : i32
    %scan3A_16 = arith.constant 0 : i32
    %scan3A_17 = arith.constant 128 : i32
    %scan3A_18 = arith.addi %scan3A_16, %scan3A_17 : i32
    %scan3A_19 = arith.constant 1 : i32
    scf.for %scan3A_68 = %scan3A_16 to %scan3A_18 step %scan3A_19  : i32 {
      %mul3A_69 = arith.constant 16 : i32
      %mul3A_70 = arith.muli %scan3A_68, %mul3A_69 : i32
      %get3A = arith.index_cast %mul3A_70 : i32 to index
      %get3A_71 = tpu.vector_load %arg7[%get3A] {strides = array<i32>} : memref<2048xi32, #tpu.memory_space<vmem>>, vector<16xi32>,
      %get3A_72 = vector.shape_cast %get3A_71 : vector<16xi32> to vector<16xi32>
      %get3A_73 = arith.index_cast %mul3A_70 : i32 to index
      %get3A_74 = tpu.vector_load %arg8[%get3A_73] {strides = array<i32>} : memref<2048xi32, #tpu.memory_space<vmem>>, vector<16xi32>,
      %get3A_75 = vector.shape_cast %get3A_74 : vector<16xi32> to vector<16xi32>
      %gt3A = arith.cmpi sgt, %get3A_72, %get3A_75 : vector<16xi32>
      %get3A_76 = arith.index_cast %mul3A_70 : i32 to index
      %get3A_77 = tpu.vector_load %arg6[%get3A_76] {strides = array<i32>} : memref<2048xi32, #tpu.memory_space<vmem>>, vector<16xi32>,
      %get3A_78 = vector.shape_cast %get3A_77 : vector<16xi32> to vector<16xi32>
      %lt3A = arith.constant 500000 : i32
      %lt3A_79 = vector.broadcast %lt3A : i32 to vector<16xi32>
      %lt3A_80 = arith.cmpi slt, %get3A_78, %lt3A_79 : vector<16xi32>
      %and3A = arith.andi %gt3A, %lt3A_80 : vector<16xi1>
      %get3A_81 = arith.index_cast %mul3A_70 : i32 to index
      %get3A_82 = tpu.vector_load %arg6[%get3A_81] {strides = array<i32>} : memref<2048xi32, #tpu.memory_space<vmem>>, vector<16xi32>,
      %get3A_83 = vector.shape_cast %get3A_82 : vector<16xi32> to vector<16xi32>
      %broadcast_in_dim3A = arith.constant 500000 : i32
      %broadcast_in_dim3A_84 = vector.broadcast %broadcast_in_dim3A : i32 to vector<16xi32>
      %select_n3A = arith.select %and3A, %get3A_83, %broadcast_in_dim3A_84 : vector<16xi1>, vector<16xi32>
      %swap3A = arith.index_cast %mul3A_70 : i32 to index
      %swap3A_85 = tpu.vector_load %arg9[%swap3A] {strides = array<i32>} : memref<2048xi32, #tpu.memory_space<vmem>>, vector<16xi32>,
      %swap3A_86 = vector.shape_cast %swap3A_85 : vector<16xi32> to vector<16xi32>
      %swap3A_87 = vector.shape_cast %select_n3A : vector<16xi32> to vector<16xi32>
      tpu.vector_store %arg9[%swap3A], %swap3A_87 {strides = array<i32>} : memref<2048xi32, #tpu.memory_space<vmem>>, vector<16xi32>,
    }
    %scan3A_20 = arith.constant 128 : i32
    %dma_start3A_21 = arith.constant 0 : i32
    %dma_start3A_22 = tpu.memref_slice %arg5[%dma_start3A_21] : memref<500128xi32, #tpu.memory_space<vmem_shared>> -> memref<500128xi32, #tpu.memory_space<vmem_shared>>
    tpu.enqueue_indirect_dma source(%arg7 : memref<2048xi32, #tpu.memory_space<vmem>>) target(%dma_start3A_22 : memref<500128xi32, #tpu.memory_space<vmem_shared>>) offsets(%arg9 : memref<2048xi32, #tpu.memory_space<vmem>>) semaphore(%arg10 : memref<!tpu.dma_semaphore, #tpu.memory_space<semaphore_mem>>)
    %dma_wait3A_23 = arith.constant 0 : i32
    %dma_wait3A_24 = tpu.memref_slice %arg5[%dma_wait3A_23] : memref<500128xi32, #tpu.memory_space<vmem_shared>> -> memref<500128xi32, #tpu.memory_space<vmem_shared>>
    tpu.wait_indirect_dma semaphore(%arg10 : memref<!tpu.dma_semaphore, #tpu.memory_space<semaphore_mem>>) src(%arg7 : memref<2048xi32, #tpu.memory_space<vmem>>) dst(%dma_wait3A_24 : memref<500128xi32, #tpu.memory_space<vmem_shared>>)
    %barrier3A_25 = arith.constant 0 : index
    tpu.barrier barrier_id(%barrier3A_25)
    %dma_start3A_26 = arith.constant 0 : i32
    %dma_start3A_27 = tpu.memref_slice %arg5[%dma_start3A_26] : memref<500128xi32, #tpu.memory_space<vmem_shared>> -> memref<500128xi32, #tpu.memory_space<vmem_shared>>
    tpu.enqueue_indirect_dma source(%dma_start3A_27 : memref<500128xi32, #tpu.memory_space<vmem_shared>>) target(%arg8 : memref<2048xi32, #tpu.memory_space<vmem>>) offsets(%arg6 : memref<2048xi32, #tpu.memory_space<vmem>>) semaphore(%arg10 : memref<!tpu.dma_semaphore, #tpu.memory_space<semaphore_mem>>)
    %dma_wait3A_28 = arith.constant 0 : i32
    %dma_wait3A_29 = tpu.memref_slice %arg5[%dma_wait3A_28] : memref<500128xi32, #tpu.memory_space<vmem_shared>> -> memref<500128xi32, #tpu.memory_space<vmem_shared>>
    tpu.wait_indirect_dma semaphore(%arg10 : memref<!tpu.dma_semaphore, #tpu.memory_space<semaphore_mem>>) src(%dma_wait3A_29 : memref<500128xi32, #tpu.memory_space<vmem_shared>>) dst(%arg8 : memref<2048xi32, #tpu.memory_space<vmem>>)
    %barrier3A_30 = arith.constant 0 : index
    tpu.barrier barrier_id(%barrier3A_30)
    %scan3A_31 = arith.constant 0 : i32
    %scan3A_32 = arith.constant 0 : i32
    %scan3A_33 = arith.constant 128 : i32
    %scan3A_34 = arith.addi %scan3A_32, %scan3A_33 : i32
    %scan3A_35 = arith.constant 1 : i32
    scf.for %scan3A_68 = %scan3A_32 to %scan3A_34 step %scan3A_35  : i32 {
      %mul3A_69 = arith.constant 16 : i32
      %mul3A_70 = arith.muli %scan3A_68, %mul3A_69 : i32
      %get3A = arith.index_cast %mul3A_70 : i32 to index
      %get3A_71 = tpu.vector_load %arg7[%get3A] {strides = array<i32>} : memref<2048xi32, #tpu.memory_space<vmem>>, vector<16xi32>,
      %get3A_72 = vector.shape_cast %get3A_71 : vector<16xi32> to vector<16xi32>
      %get3A_73 = arith.index_cast %mul3A_70 : i32 to index
      %get3A_74 = tpu.vector_load %arg8[%get3A_73] {strides = array<i32>} : memref<2048xi32, #tpu.memory_space<vmem>>, vector<16xi32>,
      %get3A_75 = vector.shape_cast %get3A_74 : vector<16xi32> to vector<16xi32>
      %gt3A = arith.cmpi sgt, %get3A_72, %get3A_75 : vector<16xi32>
      %get3A_76 = arith.index_cast %mul3A_70 : i32 to index
      %get3A_77 = tpu.vector_load %arg6[%get3A_76] {strides = array<i32>} : memref<2048xi32, #tpu.memory_space<vmem>>, vector<16xi32>,
      %get3A_78 = vector.shape_cast %get3A_77 : vector<16xi32> to vector<16xi32>
      %lt3A = arith.constant 500000 : i32
      %lt3A_79 = vector.broadcast %lt3A : i32 to vector<16xi32>
      %lt3A_80 = arith.cmpi slt, %get3A_78, %lt3A_79 : vector<16xi32>
      %and3A = arith.andi %gt3A, %lt3A_80 : vector<16xi1>
      %get3A_81 = arith.index_cast %mul3A_70 : i32 to index
      %get3A_82 = tpu.vector_load %arg6[%get3A_81] {strides = array<i32>} : memref<2048xi32, #tpu.memory_space<vmem>>, vector<16xi32>,
      %get3A_83 = vector.shape_cast %get3A_82 : vector<16xi32> to vector<16xi32>
      %broadcast_in_dim3A = arith.constant 500000 : i32
      %broadcast_in_dim3A_84 = vector.broadcast %broadcast_in_dim3A : i32 to vector<16xi32>
      %select_n3A = arith.select %and3A, %get3A_83, %broadcast_in_dim3A_84 : vector<16xi1>, vector<16xi32>
      %swap3A = arith.index_cast %mul3A_70 : i32 to index
      %swap3A_85 = tpu.vector_load %arg9[%swap3A] {strides = array<i32>} : memref<2048xi32, #tpu.memory_space<vmem>>, vector<16xi32>,
      %swap3A_86 = vector.shape_cast %swap3A_85 : vector<16xi32> to vector<16xi32>
      %swap3A_87 = vector.shape_cast %select_n3A : vector<16xi32> to vector<16xi32>
      tpu.vector_store %arg9[%swap3A], %swap3A_87 {strides = array<i32>} : memref<2048xi32, #tpu.memory_space<vmem>>, vector<16xi32>,
    }
    %scan3A_36 = arith.constant 128 : i32
    %dma_start3A_37 = arith.constant 0 : i32
    %dma_start3A_38 = tpu.memref_slice %arg5[%dma_start3A_37] : memref<500128xi32, #tpu.memory_space<vmem_shared>> -> memref<500128xi32, #tpu.memory_space<vmem_shared>>
    tpu.enqueue_indirect_dma source(%arg7 : memref<2048xi32, #tpu.memory_space<vmem>>) target(%dma_start3A_38 : memref<500128xi32, #tpu.memory_space<vmem_shared>>) offsets(%arg9 : memref<2048xi32, #tpu.memory_space<vmem>>) semaphore(%arg10 : memref<!tpu.dma_semaphore, #tpu.memory_space<semaphore_mem>>)
    %dma_wait3A_39 = arith.constant 0 : i32
    %dma_wait3A_40 = tpu.memref_slice %arg5[%dma_wait3A_39] : memref<500128xi32, #tpu.memory_space<vmem_shared>> -> memref<500128xi32, #tpu.memory_space<vmem_shared>>
    tpu.wait_indirect_dma semaphore(%arg10 : memref<!tpu.dma_semaphore, #tpu.memory_space<semaphore_mem>>) src(%arg7 : memref<2048xi32, #tpu.memory_space<vmem>>) dst(%dma_wait3A_40 : memref<500128xi32, #tpu.memory_space<vmem_shared>>)
    %barrier3A_41 = arith.constant 0 : index
    tpu.barrier barrier_id(%barrier3A_41)
    %dma_start3A_42 = arith.constant 0 : i32
    %dma_start3A_43 = tpu.memref_slice %arg5[%dma_start3A_42] : memref<500128xi32, #tpu.memory_space<vmem_shared>> -> memref<500128xi32, #tpu.memory_space<vmem_shared>>
    tpu.enqueue_indirect_dma source(%dma_start3A_43 : memref<500128xi32, #tpu.memory_space<vmem_shared>>) target(%arg8 : memref<2048xi32, #tpu.memory_space<vmem>>) offsets(%arg6 : memref<2048xi32, #tpu.memory_space<vmem>>) semaphore(%arg10 : memref<!tpu.dma_semaphore, #tpu.memory_space<semaphore_mem>>)
    %dma_wait3A_44 = arith.constant 0 : i32
    %dma_wait3A_45 = tpu.memref_slice %arg5[%dma_wait3A_44] : memref<500128xi32, #tpu.memory_space<vmem_shared>> -> memref<500128xi32, #tpu.memory_space<vmem_shared>>
    tpu.wait_indirect_dma semaphore(%arg10 : memref<!tpu.dma_semaphore, #tpu.memory_space<semaphore_mem>>) src(%dma_wait3A_45 : memref<500128xi32, #tpu.memory_space<vmem_shared>>) dst(%arg8 : memref<2048xi32, #tpu.memory_space<vmem>>)
    %barrier3A_46 = arith.constant 0 : index
    tpu.barrier barrier_id(%barrier3A_46)
    %scan3A_47 = arith.constant 0 : i32
    %scan3A_48 = arith.constant 0 : i32
    %scan3A_49 = arith.constant 128 : i32
    %scan3A_50 = arith.addi %scan3A_48, %scan3A_49 : i32
    %scan3A_51 = arith.constant 1 : i32
    scf.for %scan3A_68 = %scan3A_48 to %scan3A_50 step %scan3A_51  : i32 {
      %mul3A_69 = arith.constant 16 : i32
      %mul3A_70 = arith.muli %scan3A_68, %mul3A_69 : i32
      %get3A = arith.index_cast %mul3A_70 : i32 to index
      %get3A_71 = tpu.vector_load %arg7[%get3A] {strides = array<i32>} : memref<2048xi32, #tpu.memory_space<vmem>>, vector<16xi32>,
      %get3A_72 = vector.shape_cast %get3A_71 : vector<16xi32> to vector<16xi32>
      %get3A_73 = arith.index_cast %mul3A_70 : i32 to index
      %get3A_74 = tpu.vector_load %arg8[%get3A_73] {strides = array<i32>} : memref<2048xi32, #tpu.memory_space<vmem>>, vector<16xi32>,
      %get3A_75 = vector.shape_cast %get3A_74 : vector<16xi32> to vector<16xi32>
      %gt3A = arith.cmpi sgt, %get3A_72, %get3A_75 : vector<16xi32>
      %get3A_76 = arith.index_cast %mul3A_70 : i32 to index
      %get3A_77 = tpu.vector_load %arg6[%get3A_76] {strides = array<i32>} : memref<2048xi32, #tpu.memory_space<vmem>>, vector<16xi32>,
      %get3A_78 = vector.shape_cast %get3A_77 : vector<16xi32> to vector<16xi32>
      %lt3A = arith.constant 500000 : i32
      %lt3A_79 = vector.broadcast %lt3A : i32 to vector<16xi32>
      %lt3A_80 = arith.cmpi slt, %get3A_78, %lt3A_79 : vector<16xi32>
      %and3A = arith.andi %gt3A, %lt3A_80 : vector<16xi1>
      %get3A_81 = arith.index_cast %mul3A_70 : i32 to index
      %get3A_82 = tpu.vector_load %arg6[%get3A_81] {strides = array<i32>} : memref<2048xi32, #tpu.memory_space<vmem>>, vector<16xi32>,
      %get3A_83 = vector.shape_cast %get3A_82 : vector<16xi32> to vector<16xi32>
      %broadcast_in_dim3A = arith.constant 500000 : i32
      %broadcast_in_dim3A_84 = vector.broadcast %broadcast_in_dim3A : i32 to vector<16xi32>
      %select_n3A = arith.select %and3A, %get3A_83, %broadcast_in_dim3A_84 : vector<16xi1>, vector<16xi32>
      %swap3A = arith.index_cast %mul3A_70 : i32 to index
      %swap3A_85 = tpu.vector_load %arg9[%swap3A] {strides = array<i32>} : memref<2048xi32, #tpu.memory_space<vmem>>, vector<16xi32>,
      %swap3A_86 = vector.shape_cast %swap3A_85 : vector<16xi32> to vector<16xi32>
      %swap3A_87 = vector.shape_cast %select_n3A : vector<16xi32> to vector<16xi32>
      tpu.vector_store %arg9[%swap3A], %swap3A_87 {strides = array<i32>} : memref<2048xi32, #tpu.memory_space<vmem>>, vector<16xi32>,
    }
    %scan3A_52 = arith.constant 128 : i32
    %dma_start3A_53 = arith.constant 0 : i32
    %dma_start3A_54 = tpu.memref_slice %arg5[%dma_start3A_53] : memref<500128xi32, #tpu.memory_space<vmem_shared>> -> memref<500128xi32, #tpu.memory_space<vmem_shared>>
    tpu.enqueue_indirect_dma source(%arg7 : memref<2048xi32, #tpu.memory_space<vmem>>) target(%dma_start3A_54 : memref<500128xi32, #tpu.memory_space<vmem_shared>>) offsets(%arg9 : memref<2048xi32, #tpu.memory_space<vmem>>) semaphore(%arg10 : memref<!tpu.dma_semaphore, #tpu.memory_space<semaphore_mem>>)
    %dma_wait3A_55 = arith.constant 0 : i32
    %dma_wait3A_56 = tpu.memref_slice %arg5[%dma_wait3A_55] : memref<500128xi32, #tpu.memory_space<vmem_shared>> -> memref<500128xi32, #tpu.memory_space<vmem_shared>>
    tpu.wait_indirect_dma semaphore(%arg10 : memref<!tpu.dma_semaphore, #tpu.memory_space<semaphore_mem>>) src(%arg7 : memref<2048xi32, #tpu.memory_space<vmem>>) dst(%dma_wait3A_56 : memref<500128xi32, #tpu.memory_space<vmem_shared>>)
    %barrier3A_57 = arith.constant 0 : index
    tpu.barrier barrier_id(%barrier3A_57)
    %dma_start3A_58 = arith.constant 0 : i32
    %dma_start3A_59 = tpu.memref_slice %arg5[%dma_start3A_58] : memref<500128xi32, #tpu.memory_space<vmem_shared>> -> memref<500128xi32, #tpu.memory_space<vmem_shared>>
    tpu.enqueue_indirect_dma source(%dma_start3A_59 : memref<500128xi32, #tpu.memory_space<vmem_shared>>) target(%arg8 : memref<2048xi32, #tpu.memory_space<vmem>>) offsets(%arg6 : memref<2048xi32, #tpu.memory_space<vmem>>) semaphore(%arg10 : memref<!tpu.dma_semaphore, #tpu.memory_space<semaphore_mem>>)
    %dma_wait3A_60 = arith.constant 0 : i32
    %dma_wait3A_61 = tpu.memref_slice %arg5[%dma_wait3A_60] : memref<500128xi32, #tpu.memory_space<vmem_shared>> -> memref<500128xi32, #tpu.memory_space<vmem_shared>>
    tpu.wait_indirect_dma semaphore(%arg10 : memref<!tpu.dma_semaphore, #tpu.memory_space<semaphore_mem>>) src(%dma_wait3A_61 : memref<500128xi32, #tpu.memory_space<vmem_shared>>) dst(%arg8 : memref<2048xi32, #tpu.memory_space<vmem>>)
    %scan3A_62 = arith.constant 0 : i32
    %scan3A_63 = arith.constant 0 : i32
    %scan3A_64 = arith.constant 128 : i32
    %scan3A_65 = arith.addi %scan3A_63, %scan3A_64 : i32
    %scan3A_66 = arith.constant 1 : i32
    scf.for %scan3A_68 = %scan3A_63 to %scan3A_65 step %scan3A_66  : i32 {
      %mul3A_69 = arith.constant 16 : i32
      %mul3A_70 = arith.muli %scan3A_68, %mul3A_69 : i32
      %get3A = arith.index_cast %mul3A_70 : i32 to index
      %get3A_71 = tpu.vector_load %arg6[%get3A] {strides = array<i32>} : memref<2048xi32, #tpu.memory_space<vmem>>, vector<16xi32>,
      %get3A_72 = vector.shape_cast %get3A_71 : vector<16xi32> to vector<16xi32>
      %lt3A = arith.constant 500000 : i32
      %lt3A_73 = vector.broadcast %lt3A : i32 to vector<16xi32>
      %lt3A_74 = arith.cmpi slt, %get3A_72, %lt3A_73 : vector<16xi32>
      %get3A_75 = arith.index_cast %mul3A_70 : i32 to index
      %get3A_76 = tpu.vector_load %arg8[%get3A_75] {strides = array<i32>} : memref<2048xi32, #tpu.memory_space<vmem>>, vector<16xi32>,
      %get3A_77 = vector.shape_cast %get3A_76 : vector<16xi32> to vector<16xi32>
      %broadcast_in_dim3A = arith.constant 0 : i32
      %broadcast_in_dim3A_78 = vector.broadcast %broadcast_in_dim3A : i32 to vector<16xi32>
      %select_n3A = arith.select %lt3A_74, %get3A_77, %broadcast_in_dim3A_78 : vector<16xi1>, vector<16xi32>
      %swap3A = arith.index_cast %mul3A_70 : i32 to index
      %swap3A_79 = tpu.vector_load %arg8[%swap3A] {strides = array<i32>} : memref<2048xi32, #tpu.memory_space<vmem>>, vector<16xi32>,
      %swap3A_80 = vector.shape_cast %swap3A_79 : vector<16xi32> to vector<16xi32>
      %swap3A_81 = vector.shape_cast %select_n3A : vector<16xi32> to vector<16xi32>
      tpu.vector_store %arg8[%swap3A], %swap3A_81 {strides = array<i32>} : memref<2048xi32, #tpu.memory_space<vmem>>, vector<16xi32>,
    }
    %scan3A_67 = arith.constant 128 : i32
    "tpu.region"() ({
      %run_scoped3A = tpu.sem_alloc : memref<!tpu.dma_semaphore, #tpu.memory_space<semaphore_mem>>
      %dma_start3A_68 = arith.constant 0 : i32
      %dma_start3A_69 = tpu.memref_slice %arg4[%arg0, %dma_start3A_68] : memref<2x32768xi32, #tpu.memory_space<hbm>> -> memref<1x32768xi32, #tpu.memory_space<hbm>>
      %dma_start3A_70 = tpu.memref_squeeze %dma_start3A_69 : memref<1x32768xi32, #tpu.memory_space<hbm>> -> memref<32768xi32, #tpu.memory_space<hbm>>
      %dma_start3A_71 = tpu.memref_slice %dma_start3A_70[%mul3A_2] : memref<32768xi32, #tpu.memory_space<hbm>> -> memref<2048xi32, #tpu.memory_space<hbm>>
      %dma_start3A_72 = arith.constant 0 : i32
      %dma_start3A_73 = tpu.memref_slice %arg4[%arg0, %dma_start3A_72] : memref<2x32768xi32, #tpu.memory_space<hbm>> -> memref<1x32768xi32, #tpu.memory_space<hbm>>
      %dma_start3A_74 = tpu.memref_squeeze %dma_start3A_73 : memref<1x32768xi32, #tpu.memory_space<hbm>> -> memref<32768xi32, #tpu.memory_space<hbm>>
      %dma_start3A_75 = tpu.memref_slice %dma_start3A_74[%mul3A_2] : memref<32768xi32, #tpu.memory_space<hbm>> -> memref<2048xi32, #tpu.memory_space<hbm>>
      tpu.enqueue_dma source(%arg8 : memref<2048xi32, #tpu.memory_space<vmem>>) target(%dma_start3A_75 : memref<2048xi32, #tpu.memory_space<hbm>>) target_semaphore(%run_scoped3A : memref<!tpu.dma_semaphore, #tpu.memory_space<semaphore_mem>>)
      %dma_wait3A_76 = arith.constant 0 : i32
      %dma_wait3A_77 = tpu.memref_slice %arg4[%arg0, %dma_wait3A_76] : memref<2x32768xi32, #tpu.memory_space<hbm>> -> memref<1x32768xi32, #tpu.memory_space<hbm>>
      %dma_wait3A_78 = tpu.memref_squeeze %dma_wait3A_77 : memref<1x32768xi32, #tpu.memory_space<hbm>> -> memref<32768xi32, #tpu.memory_space<hbm>>
      %dma_wait3A_79 = tpu.memref_slice %dma_wait3A_78[%mul3A_2] : memref<32768xi32, #tpu.memory_space<hbm>> -> memref<2048xi32, #tpu.memory_space<hbm>>
      %dma_wait3A_80 = arith.constant 0 : i32
      %dma_wait3A_81 = tpu.memref_slice %arg4[%arg0, %dma_wait3A_80] : memref<2x32768xi32, #tpu.memory_space<hbm>> -> memref<1x32768xi32, #tpu.memory_space<hbm>>
      %dma_wait3A_82 = tpu.memref_squeeze %dma_wait3A_81 : memref<1x32768xi32, #tpu.memory_space<hbm>> -> memref<32768xi32, #tpu.memory_space<hbm>>
      %dma_wait3A_83 = tpu.memref_slice %dma_wait3A_82[%mul3A_2] : memref<32768xi32, #tpu.memory_space<hbm>> -> memref<2048xi32, #tpu.memory_space<hbm>>
      tpu.wait_dma2 semaphore(%run_scoped3A : memref<!tpu.dma_semaphore, #tpu.memory_space<semaphore_mem>>) src(%arg8 : memref<2048xi32, #tpu.memory_space<vmem>>) dst(%dma_wait3A_83 : memref<2048xi32, #tpu.memory_space<hbm>>)
      tpu.yield
    }) : () -> ()
    return
  }
}

#map = affine_map<(d0, d1) -> (0, 0)>
module attributes {stable_mosaic.version = 14 : i64} {
  func.func @_sc_gather_body(%arg0: i32, %arg1: i32, %arg2: memref<32768x32xf32, #tpu.memory_space<hbm>>, %arg3: memref<256x128xi32, #tpu.memory_space<hbm>>, %arg4: memref<32768x32xf32, #tpu.memory_space<hbm>>, %arg5: memref<8x128xi32, #tpu.memory_space<vmem>>, %arg6: memref<1024x32xf32, #tpu.memory_space<vmem>>, %arg7: memref<!tpu.dma_semaphore, #tpu.memory_space<semaphore_mem>>) attributes {dimension_semantics = [#tpu.dimension_semantics<core_parallel>, #tpu.dimension_semantics<subcore_parallel>], iteration_bounds = array<i64: 2, 16>, scalar_prefetch = 0 : i64, scratch_operands = 3 : i64, tpu.core_type = #tpu.core_type<sc_vector_subcore>, window_params = [{transform_indices = #map}, {transform_indices = #map}, {transform_indices = #map}]} {
    %mul3A = arith.constant 2 : i32
    %mul3A_0 = arith.muli %arg1, %mul3A : i32
    %add3A = arith.addi %mul3A_0, %arg0 : i32
    %mul3A_1 = arith.constant 8 : i32
    %mul3A_2 = arith.muli %add3A, %mul3A_1 : i32
    "tpu.region"() ({
      %run_scoped3A = tpu.sem_alloc : memref<!tpu.dma_semaphore, #tpu.memory_space<semaphore_mem>>
      %dma_start3A_163 = arith.constant 0 : i32
      %dma_start3A_164 = tpu.memref_slice %arg3[%mul3A_2, %dma_start3A_163] : memref<256x128xi32, #tpu.memory_space<hbm>> -> memref<8x128xi32, #tpu.memory_space<hbm>>
      %dma_start3A_165 = arith.constant 0 : i32
      %dma_start3A_166 = tpu.memref_slice %arg3[%mul3A_2, %dma_start3A_165] : memref<256x128xi32, #tpu.memory_space<hbm>> -> memref<8x128xi32, #tpu.memory_space<hbm>>
      tpu.enqueue_dma source(%dma_start3A_166 : memref<8x128xi32, #tpu.memory_space<hbm>>) target(%arg5 : memref<8x128xi32, #tpu.memory_space<vmem>>) target_semaphore(%run_scoped3A : memref<!tpu.dma_semaphore, #tpu.memory_space<semaphore_mem>>)
      %dma_wait3A_167 = arith.constant 0 : i32
      %dma_wait3A_168 = tpu.memref_slice %arg3[%mul3A_2, %dma_wait3A_167] : memref<256x128xi32, #tpu.memory_space<hbm>> -> memref<8x128xi32, #tpu.memory_space<hbm>>
      %dma_wait3A_169 = arith.constant 0 : i32
      %dma_wait3A_170 = tpu.memref_slice %arg3[%mul3A_2, %dma_wait3A_169] : memref<256x128xi32, #tpu.memory_space<hbm>> -> memref<8x128xi32, #tpu.memory_space<hbm>>
      tpu.wait_dma2 semaphore(%run_scoped3A : memref<!tpu.dma_semaphore, #tpu.memory_space<semaphore_mem>>) src(%dma_wait3A_170 : memref<8x128xi32, #tpu.memory_space<hbm>>) dst(%arg5 : memref<8x128xi32, #tpu.memory_space<vmem>>)
      tpu.yield
    }) : () -> ()
    %dma_start3A = arith.constant 0 : i32
    %dma_start3A_3 = arith.constant 0 : i32
    %dma_start3A_4 = arith.constant 0 : i32
    %dma_start3A_5 = tpu.memref_slice %arg6[%dma_start3A_3, %dma_start3A_4] : memref<1024x32xf32, #tpu.memory_space<vmem>> -> memref<128x32xf32, #tpu.memory_space<vmem>>
    %dma_start3A_6 = arith.constant 0 : i32
    %dma_start3A_7 = tpu.memref_slice %arg5[%dma_start3A, %dma_start3A_6] : memref<8x128xi32, #tpu.memory_space<vmem>> -> memref<1x128xi32, #tpu.memory_space<vmem>>
    %dma_start3A_8 = tpu.memref_squeeze %dma_start3A_7 : memref<1x128xi32, #tpu.memory_space<vmem>> -> memref<128xi32, #tpu.memory_space<vmem>>
    %dma_start3A_9 = arith.constant 0 : i32
    %dma_start3A_10 = arith.constant 0 : i32
    %dma_start3A_11 = tpu.memref_slice %arg2[%dma_start3A_9, %dma_start3A_10] : memref<32768x32xf32, #tpu.memory_space<hbm>> -> memref<32768x32xf32, #tpu.memory_space<hbm>>
    tpu.enqueue_indirect_dma source(%dma_start3A_11 : memref<32768x32xf32, #tpu.memory_space<hbm>>) target(%dma_start3A_5 : memref<128x32xf32, #tpu.memory_space<vmem>>) offsets(%dma_start3A_8 : memref<128xi32, #tpu.memory_space<vmem>>) semaphore(%arg7 : memref<!tpu.dma_semaphore, #tpu.memory_space<semaphore_mem>>)
    %dma_start3A_12 = arith.constant 1 : i32
    %dma_start3A_13 = arith.constant 128 : i32
    %dma_start3A_14 = arith.constant 0 : i32
    %dma_start3A_15 = tpu.memref_slice %arg6[%dma_start3A_13, %dma_start3A_14] : memref<1024x32xf32, #tpu.memory_space<vmem>> -> memref<128x32xf32, #tpu.memory_space<vmem>>
    %dma_start3A_16 = arith.constant 0 : i32
    %dma_start3A_17 = tpu.memref_slice %arg5[%dma_start3A_12, %dma_start3A_16] : memref<8x128xi32, #tpu.memory_space<vmem>> -> memref<1x128xi32, #tpu.memory_space<vmem>>
    %dma_start3A_18 = tpu.memref_squeeze %dma_start3A_17 : memref<1x128xi32, #tpu.memory_space<vmem>> -> memref<128xi32, #tpu.memory_space<vmem>>
    %dma_start3A_19 = arith.constant 0 : i32
    %dma_start3A_20 = arith.constant 0 : i32
    %dma_start3A_21 = tpu.memref_slice %arg2[%dma_start3A_19, %dma_start3A_20] : memref<32768x32xf32, #tpu.memory_space<hbm>> -> memref<32768x32xf32, #tpu.memory_space<hbm>>
    tpu.enqueue_indirect_dma source(%dma_start3A_21 : memref<32768x32xf32, #tpu.memory_space<hbm>>) target(%dma_start3A_15 : memref<128x32xf32, #tpu.memory_space<vmem>>) offsets(%dma_start3A_18 : memref<128xi32, #tpu.memory_space<vmem>>) semaphore(%arg7 : memref<!tpu.dma_semaphore, #tpu.memory_space<semaphore_mem>>)
    %dma_start3A_22 = arith.constant 2 : i32
    %dma_start3A_23 = arith.constant 256 : i32
    %dma_start3A_24 = arith.constant 0 : i32
    %dma_start3A_25 = tpu.memref_slice %arg6[%dma_start3A_23, %dma_start3A_24] : memref<1024x32xf32, #tpu.memory_space<vmem>> -> memref<128x32xf32, #tpu.memory_space<vmem>>
    %dma_start3A_26 = arith.constant 0 : i32
    %dma_start3A_27 = tpu.memref_slice %arg5[%dma_start3A_22, %dma_start3A_26] : memref<8x128xi32, #tpu.memory_space<vmem>> -> memref<1x128xi32, #tpu.memory_space<vmem>>
    %dma_start3A_28 = tpu.memref_squeeze %dma_start3A_27 : memref<1x128xi32, #tpu.memory_space<vmem>> -> memref<128xi32, #tpu.memory_space<vmem>>
    %dma_start3A_29 = arith.constant 0 : i32
    %dma_start3A_30 = arith.constant 0 : i32
    %dma_start3A_31 = tpu.memref_slice %arg2[%dma_start3A_29, %dma_start3A_30] : memref<32768x32xf32, #tpu.memory_space<hbm>> -> memref<32768x32xf32, #tpu.memory_space<hbm>>
    tpu.enqueue_indirect_dma source(%dma_start3A_31 : memref<32768x32xf32, #tpu.memory_space<hbm>>) target(%dma_start3A_25 : memref<128x32xf32, #tpu.memory_space<vmem>>) offsets(%dma_start3A_28 : memref<128xi32, #tpu.memory_space<vmem>>) semaphore(%arg7 : memref<!tpu.dma_semaphore, #tpu.memory_space<semaphore_mem>>)
    %dma_start3A_32 = arith.constant 3 : i32
    %dma_start3A_33 = arith.constant 384 : i32
    %dma_start3A_34 = arith.constant 0 : i32
    %dma_start3A_35 = tpu.memref_slice %arg6[%dma_start3A_33, %dma_start3A_34] : memref<1024x32xf32, #tpu.memory_space<vmem>> -> memref<128x32xf32, #tpu.memory_space<vmem>>
    %dma_start3A_36 = arith.constant 0 : i32
    %dma_start3A_37 = tpu.memref_slice %arg5[%dma_start3A_32, %dma_start3A_36] : memref<8x128xi32, #tpu.memory_space<vmem>> -> memref<1x128xi32, #tpu.memory_space<vmem>>
    %dma_start3A_38 = tpu.memref_squeeze %dma_start3A_37 : memref<1x128xi32, #tpu.memory_space<vmem>> -> memref<128xi32, #tpu.memory_space<vmem>>
    %dma_start3A_39 = arith.constant 0 : i32
    %dma_start3A_40 = arith.constant 0 : i32
    %dma_start3A_41 = tpu.memref_slice %arg2[%dma_start3A_39, %dma_start3A_40] : memref<32768x32xf32, #tpu.memory_space<hbm>> -> memref<32768x32xf32, #tpu.memory_space<hbm>>
    tpu.enqueue_indirect_dma source(%dma_start3A_41 : memref<32768x32xf32, #tpu.memory_space<hbm>>) target(%dma_start3A_35 : memref<128x32xf32, #tpu.memory_space<vmem>>) offsets(%dma_start3A_38 : memref<128xi32, #tpu.memory_space<vmem>>) semaphore(%arg7 : memref<!tpu.dma_semaphore, #tpu.memory_space<semaphore_mem>>)
    %dma_start3A_42 = arith.constant 4 : i32
    %dma_start3A_43 = arith.constant 512 : i32
    %dma_start3A_44 = arith.constant 0 : i32
    %dma_start3A_45 = tpu.memref_slice %arg6[%dma_start3A_43, %dma_start3A_44] : memref<1024x32xf32, #tpu.memory_space<vmem>> -> memref<128x32xf32, #tpu.memory_space<vmem>>
    %dma_start3A_46 = arith.constant 0 : i32
    %dma_start3A_47 = tpu.memref_slice %arg5[%dma_start3A_42, %dma_start3A_46] : memref<8x128xi32, #tpu.memory_space<vmem>> -> memref<1x128xi32, #tpu.memory_space<vmem>>
    %dma_start3A_48 = tpu.memref_squeeze %dma_start3A_47 : memref<1x128xi32, #tpu.memory_space<vmem>> -> memref<128xi32, #tpu.memory_space<vmem>>
    %dma_start3A_49 = arith.constant 0 : i32
    %dma_start3A_50 = arith.constant 0 : i32
    %dma_start3A_51 = tpu.memref_slice %arg2[%dma_start3A_49, %dma_start3A_50] : memref<32768x32xf32, #tpu.memory_space<hbm>> -> memref<32768x32xf32, #tpu.memory_space<hbm>>
    tpu.enqueue_indirect_dma source(%dma_start3A_51 : memref<32768x32xf32, #tpu.memory_space<hbm>>) target(%dma_start3A_45 : memref<128x32xf32, #tpu.memory_space<vmem>>) offsets(%dma_start3A_48 : memref<128xi32, #tpu.memory_space<vmem>>) semaphore(%arg7 : memref<!tpu.dma_semaphore, #tpu.memory_space<semaphore_mem>>)
    %dma_start3A_52 = arith.constant 5 : i32
    %dma_start3A_53 = arith.constant 640 : i32
    %dma_start3A_54 = arith.constant 0 : i32
    %dma_start3A_55 = tpu.memref_slice %arg6[%dma_start3A_53, %dma_start3A_54] : memref<1024x32xf32, #tpu.memory_space<vmem>> -> memref<128x32xf32, #tpu.memory_space<vmem>>
    %dma_start3A_56 = arith.constant 0 : i32
    %dma_start3A_57 = tpu.memref_slice %arg5[%dma_start3A_52, %dma_start3A_56] : memref<8x128xi32, #tpu.memory_space<vmem>> -> memref<1x128xi32, #tpu.memory_space<vmem>>
    %dma_start3A_58 = tpu.memref_squeeze %dma_start3A_57 : memref<1x128xi32, #tpu.memory_space<vmem>> -> memref<128xi32, #tpu.memory_space<vmem>>
    %dma_start3A_59 = arith.constant 0 : i32
    %dma_start3A_60 = arith.constant 0 : i32
    %dma_start3A_61 = tpu.memref_slice %arg2[%dma_start3A_59, %dma_start3A_60] : memref<32768x32xf32, #tpu.memory_space<hbm>> -> memref<32768x32xf32, #tpu.memory_space<hbm>>
    tpu.enqueue_indirect_dma source(%dma_start3A_61 : memref<32768x32xf32, #tpu.memory_space<hbm>>) target(%dma_start3A_55 : memref<128x32xf32, #tpu.memory_space<vmem>>) offsets(%dma_start3A_58 : memref<128xi32, #tpu.memory_space<vmem>>) semaphore(%arg7 : memref<!tpu.dma_semaphore, #tpu.memory_space<semaphore_mem>>)
    %dma_start3A_62 = arith.constant 6 : i32
    %dma_start3A_63 = arith.constant 768 : i32
    %dma_start3A_64 = arith.constant 0 : i32
    %dma_start3A_65 = tpu.memref_slice %arg6[%dma_start3A_63, %dma_start3A_64] : memref<1024x32xf32, #tpu.memory_space<vmem>> -> memref<128x32xf32, #tpu.memory_space<vmem>>
    %dma_start3A_66 = arith.constant 0 : i32
    %dma_start3A_67 = tpu.memref_slice %arg5[%dma_start3A_62, %dma_start3A_66] : memref<8x128xi32, #tpu.memory_space<vmem>> -> memref<1x128xi32, #tpu.memory_space<vmem>>
    %dma_start3A_68 = tpu.memref_squeeze %dma_start3A_67 : memref<1x128xi32, #tpu.memory_space<vmem>> -> memref<128xi32, #tpu.memory_space<vmem>>
    %dma_start3A_69 = arith.constant 0 : i32
    %dma_start3A_70 = arith.constant 0 : i32
    %dma_start3A_71 = tpu.memref_slice %arg2[%dma_start3A_69, %dma_start3A_70] : memref<32768x32xf32, #tpu.memory_space<hbm>> -> memref<32768x32xf32, #tpu.memory_space<hbm>>
    tpu.enqueue_indirect_dma source(%dma_start3A_71 : memref<32768x32xf32, #tpu.memory_space<hbm>>) target(%dma_start3A_65 : memref<128x32xf32, #tpu.memory_space<vmem>>) offsets(%dma_start3A_68 : memref<128xi32, #tpu.memory_space<vmem>>) semaphore(%arg7 : memref<!tpu.dma_semaphore, #tpu.memory_space<semaphore_mem>>)
    %dma_start3A_72 = arith.constant 7 : i32
    %dma_start3A_73 = arith.constant 896 : i32
    %dma_start3A_74 = arith.constant 0 : i32
    %dma_start3A_75 = tpu.memref_slice %arg6[%dma_start3A_73, %dma_start3A_74] : memref<1024x32xf32, #tpu.memory_space<vmem>> -> memref<128x32xf32, #tpu.memory_space<vmem>>
    %dma_start3A_76 = arith.constant 0 : i32
    %dma_start3A_77 = tpu.memref_slice %arg5[%dma_start3A_72, %dma_start3A_76] : memref<8x128xi32, #tpu.memory_space<vmem>> -> memref<1x128xi32, #tpu.memory_space<vmem>>
    %dma_start3A_78 = tpu.memref_squeeze %dma_start3A_77 : memref<1x128xi32, #tpu.memory_space<vmem>> -> memref<128xi32, #tpu.memory_space<vmem>>
    %dma_start3A_79 = arith.constant 0 : i32
    %dma_start3A_80 = arith.constant 0 : i32
    %dma_start3A_81 = tpu.memref_slice %arg2[%dma_start3A_79, %dma_start3A_80] : memref<32768x32xf32, #tpu.memory_space<hbm>> -> memref<32768x32xf32, #tpu.memory_space<hbm>>
    tpu.enqueue_indirect_dma source(%dma_start3A_81 : memref<32768x32xf32, #tpu.memory_space<hbm>>) target(%dma_start3A_75 : memref<128x32xf32, #tpu.memory_space<vmem>>) offsets(%dma_start3A_78 : memref<128xi32, #tpu.memory_space<vmem>>) semaphore(%arg7 : memref<!tpu.dma_semaphore, #tpu.memory_space<semaphore_mem>>)
    %dma_wait3A = arith.constant 0 : i32
    %dma_wait3A_82 = arith.constant 0 : i32
    %dma_wait3A_83 = arith.constant 0 : i32
    %dma_wait3A_84 = tpu.memref_slice %arg6[%dma_wait3A_82, %dma_wait3A_83] : memref<1024x32xf32, #tpu.memory_space<vmem>> -> memref<128x32xf32, #tpu.memory_space<vmem>>
    %dma_wait3A_85 = arith.constant 0 : i32
    %dma_wait3A_86 = tpu.memref_slice %arg5[%dma_wait3A, %dma_wait3A_85] : memref<8x128xi32, #tpu.memory_space<vmem>> -> memref<1x128xi32, #tpu.memory_space<vmem>>
    %dma_wait3A_87 = tpu.memref_squeeze %dma_wait3A_86 : memref<1x128xi32, #tpu.memory_space<vmem>> -> memref<128xi32, #tpu.memory_space<vmem>>
    %dma_wait3A_88 = arith.constant 0 : i32
    %dma_wait3A_89 = arith.constant 0 : i32
    %dma_wait3A_90 = tpu.memref_slice %arg2[%dma_wait3A_88, %dma_wait3A_89] : memref<32768x32xf32, #tpu.memory_space<hbm>> -> memref<32768x32xf32, #tpu.memory_space<hbm>>
    tpu.wait_indirect_dma semaphore(%arg7 : memref<!tpu.dma_semaphore, #tpu.memory_space<semaphore_mem>>) src(%dma_wait3A_90 : memref<32768x32xf32, #tpu.memory_space<hbm>>) dst(%dma_wait3A_84 : memref<128x32xf32, #tpu.memory_space<vmem>>)
    %dma_wait3A_91 = arith.constant 1 : i32
    %dma_wait3A_92 = arith.constant 128 : i32
    %dma_wait3A_93 = arith.constant 0 : i32
    %dma_wait3A_94 = tpu.memref_slice %arg6[%dma_wait3A_92, %dma_wait3A_93] : memref<1024x32xf32, #tpu.memory_space<vmem>> -> memref<128x32xf32, #tpu.memory_space<vmem>>
    %dma_wait3A_95 = arith.constant 0 : i32
    %dma_wait3A_96 = tpu.memref_slice %arg5[%dma_wait3A_91, %dma_wait3A_95] : memref<8x128xi32, #tpu.memory_space<vmem>> -> memref<1x128xi32, #tpu.memory_space<vmem>>
    %dma_wait3A_97 = tpu.memref_squeeze %dma_wait3A_96 : memref<1x128xi32, #tpu.memory_space<vmem>> -> memref<128xi32, #tpu.memory_space<vmem>>
    %dma_wait3A_98 = arith.constant 0 : i32
    %dma_wait3A_99 = arith.constant 0 : i32
    %dma_wait3A_100 = tpu.memref_slice %arg2[%dma_wait3A_98, %dma_wait3A_99] : memref<32768x32xf32, #tpu.memory_space<hbm>> -> memref<32768x32xf32, #tpu.memory_space<hbm>>
    tpu.wait_indirect_dma semaphore(%arg7 : memref<!tpu.dma_semaphore, #tpu.memory_space<semaphore_mem>>) src(%dma_wait3A_100 : memref<32768x32xf32, #tpu.memory_space<hbm>>) dst(%dma_wait3A_94 : memref<128x32xf32, #tpu.memory_space<vmem>>)
    %dma_wait3A_101 = arith.constant 2 : i32
    %dma_wait3A_102 = arith.constant 256 : i32
    %dma_wait3A_103 = arith.constant 0 : i32
    %dma_wait3A_104 = tpu.memref_slice %arg6[%dma_wait3A_102, %dma_wait3A_103] : memref<1024x32xf32, #tpu.memory_space<vmem>> -> memref<128x32xf32, #tpu.memory_space<vmem>>
    %dma_wait3A_105 = arith.constant 0 : i32
    %dma_wait3A_106 = tpu.memref_slice %arg5[%dma_wait3A_101, %dma_wait3A_105] : memref<8x128xi32, #tpu.memory_space<vmem>> -> memref<1x128xi32, #tpu.memory_space<vmem>>
    %dma_wait3A_107 = tpu.memref_squeeze %dma_wait3A_106 : memref<1x128xi32, #tpu.memory_space<vmem>> -> memref<128xi32, #tpu.memory_space<vmem>>
    %dma_wait3A_108 = arith.constant 0 : i32
    %dma_wait3A_109 = arith.constant 0 : i32
    %dma_wait3A_110 = tpu.memref_slice %arg2[%dma_wait3A_108, %dma_wait3A_109] : memref<32768x32xf32, #tpu.memory_space<hbm>> -> memref<32768x32xf32, #tpu.memory_space<hbm>>
    tpu.wait_indirect_dma semaphore(%arg7 : memref<!tpu.dma_semaphore, #tpu.memory_space<semaphore_mem>>) src(%dma_wait3A_110 : memref<32768x32xf32, #tpu.memory_space<hbm>>) dst(%dma_wait3A_104 : memref<128x32xf32, #tpu.memory_space<vmem>>)
    %dma_wait3A_111 = arith.constant 3 : i32
    %dma_wait3A_112 = arith.constant 384 : i32
    %dma_wait3A_113 = arith.constant 0 : i32
    %dma_wait3A_114 = tpu.memref_slice %arg6[%dma_wait3A_112, %dma_wait3A_113] : memref<1024x32xf32, #tpu.memory_space<vmem>> -> memref<128x32xf32, #tpu.memory_space<vmem>>
    %dma_wait3A_115 = arith.constant 0 : i32
    %dma_wait3A_116 = tpu.memref_slice %arg5[%dma_wait3A_111, %dma_wait3A_115] : memref<8x128xi32, #tpu.memory_space<vmem>> -> memref<1x128xi32, #tpu.memory_space<vmem>>
    %dma_wait3A_117 = tpu.memref_squeeze %dma_wait3A_116 : memref<1x128xi32, #tpu.memory_space<vmem>> -> memref<128xi32, #tpu.memory_space<vmem>>
    %dma_wait3A_118 = arith.constant 0 : i32
    %dma_wait3A_119 = arith.constant 0 : i32
    %dma_wait3A_120 = tpu.memref_slice %arg2[%dma_wait3A_118, %dma_wait3A_119] : memref<32768x32xf32, #tpu.memory_space<hbm>> -> memref<32768x32xf32, #tpu.memory_space<hbm>>
    tpu.wait_indirect_dma semaphore(%arg7 : memref<!tpu.dma_semaphore, #tpu.memory_space<semaphore_mem>>) src(%dma_wait3A_120 : memref<32768x32xf32, #tpu.memory_space<hbm>>) dst(%dma_wait3A_114 : memref<128x32xf32, #tpu.memory_space<vmem>>)
    %dma_wait3A_121 = arith.constant 4 : i32
    %dma_wait3A_122 = arith.constant 512 : i32
    %dma_wait3A_123 = arith.constant 0 : i32
    %dma_wait3A_124 = tpu.memref_slice %arg6[%dma_wait3A_122, %dma_wait3A_123] : memref<1024x32xf32, #tpu.memory_space<vmem>> -> memref<128x32xf32, #tpu.memory_space<vmem>>
    %dma_wait3A_125 = arith.constant 0 : i32
    %dma_wait3A_126 = tpu.memref_slice %arg5[%dma_wait3A_121, %dma_wait3A_125] : memref<8x128xi32, #tpu.memory_space<vmem>> -> memref<1x128xi32, #tpu.memory_space<vmem>>
    %dma_wait3A_127 = tpu.memref_squeeze %dma_wait3A_126 : memref<1x128xi32, #tpu.memory_space<vmem>> -> memref<128xi32, #tpu.memory_space<vmem>>
    %dma_wait3A_128 = arith.constant 0 : i32
    %dma_wait3A_129 = arith.constant 0 : i32
    %dma_wait3A_130 = tpu.memref_slice %arg2[%dma_wait3A_128, %dma_wait3A_129] : memref<32768x32xf32, #tpu.memory_space<hbm>> -> memref<32768x32xf32, #tpu.memory_space<hbm>>
    tpu.wait_indirect_dma semaphore(%arg7 : memref<!tpu.dma_semaphore, #tpu.memory_space<semaphore_mem>>) src(%dma_wait3A_130 : memref<32768x32xf32, #tpu.memory_space<hbm>>) dst(%dma_wait3A_124 : memref<128x32xf32, #tpu.memory_space<vmem>>)
    %dma_wait3A_131 = arith.constant 5 : i32
    %dma_wait3A_132 = arith.constant 640 : i32
    %dma_wait3A_133 = arith.constant 0 : i32
    %dma_wait3A_134 = tpu.memref_slice %arg6[%dma_wait3A_132, %dma_wait3A_133] : memref<1024x32xf32, #tpu.memory_space<vmem>> -> memref<128x32xf32, #tpu.memory_space<vmem>>
    %dma_wait3A_135 = arith.constant 0 : i32
    %dma_wait3A_136 = tpu.memref_slice %arg5[%dma_wait3A_131, %dma_wait3A_135] : memref<8x128xi32, #tpu.memory_space<vmem>> -> memref<1x128xi32, #tpu.memory_space<vmem>>
    %dma_wait3A_137 = tpu.memref_squeeze %dma_wait3A_136 : memref<1x128xi32, #tpu.memory_space<vmem>> -> memref<128xi32, #tpu.memory_space<vmem>>
    %dma_wait3A_138 = arith.constant 0 : i32
    %dma_wait3A_139 = arith.constant 0 : i32
    %dma_wait3A_140 = tpu.memref_slice %arg2[%dma_wait3A_138, %dma_wait3A_139] : memref<32768x32xf32, #tpu.memory_space<hbm>> -> memref<32768x32xf32, #tpu.memory_space<hbm>>
    tpu.wait_indirect_dma semaphore(%arg7 : memref<!tpu.dma_semaphore, #tpu.memory_space<semaphore_mem>>) src(%dma_wait3A_140 : memref<32768x32xf32, #tpu.memory_space<hbm>>) dst(%dma_wait3A_134 : memref<128x32xf32, #tpu.memory_space<vmem>>)
    %dma_wait3A_141 = arith.constant 6 : i32
    %dma_wait3A_142 = arith.constant 768 : i32
    %dma_wait3A_143 = arith.constant 0 : i32
    %dma_wait3A_144 = tpu.memref_slice %arg6[%dma_wait3A_142, %dma_wait3A_143] : memref<1024x32xf32, #tpu.memory_space<vmem>> -> memref<128x32xf32, #tpu.memory_space<vmem>>
    %dma_wait3A_145 = arith.constant 0 : i32
    %dma_wait3A_146 = tpu.memref_slice %arg5[%dma_wait3A_141, %dma_wait3A_145] : memref<8x128xi32, #tpu.memory_space<vmem>> -> memref<1x128xi32, #tpu.memory_space<vmem>>
    %dma_wait3A_147 = tpu.memref_squeeze %dma_wait3A_146 : memref<1x128xi32, #tpu.memory_space<vmem>> -> memref<128xi32, #tpu.memory_space<vmem>>
    %dma_wait3A_148 = arith.constant 0 : i32
    %dma_wait3A_149 = arith.constant 0 : i32
    %dma_wait3A_150 = tpu.memref_slice %arg2[%dma_wait3A_148, %dma_wait3A_149] : memref<32768x32xf32, #tpu.memory_space<hbm>> -> memref<32768x32xf32, #tpu.memory_space<hbm>>
    tpu.wait_indirect_dma semaphore(%arg7 : memref<!tpu.dma_semaphore, #tpu.memory_space<semaphore_mem>>) src(%dma_wait3A_150 : memref<32768x32xf32, #tpu.memory_space<hbm>>) dst(%dma_wait3A_144 : memref<128x32xf32, #tpu.memory_space<vmem>>)
    %dma_wait3A_151 = arith.constant 7 : i32
    %dma_wait3A_152 = arith.constant 896 : i32
    %dma_wait3A_153 = arith.constant 0 : i32
    %dma_wait3A_154 = tpu.memref_slice %arg6[%dma_wait3A_152, %dma_wait3A_153] : memref<1024x32xf32, #tpu.memory_space<vmem>> -> memref<128x32xf32, #tpu.memory_space<vmem>>
    %dma_wait3A_155 = arith.constant 0 : i32
    %dma_wait3A_156 = tpu.memref_slice %arg5[%dma_wait3A_151, %dma_wait3A_155] : memref<8x128xi32, #tpu.memory_space<vmem>> -> memref<1x128xi32, #tpu.memory_space<vmem>>
    %dma_wait3A_157 = tpu.memref_squeeze %dma_wait3A_156 : memref<1x128xi32, #tpu.memory_space<vmem>> -> memref<128xi32, #tpu.memory_space<vmem>>
    %dma_wait3A_158 = arith.constant 0 : i32
    %dma_wait3A_159 = arith.constant 0 : i32
    %dma_wait3A_160 = tpu.memref_slice %arg2[%dma_wait3A_158, %dma_wait3A_159] : memref<32768x32xf32, #tpu.memory_space<hbm>> -> memref<32768x32xf32, #tpu.memory_space<hbm>>
    tpu.wait_indirect_dma semaphore(%arg7 : memref<!tpu.dma_semaphore, #tpu.memory_space<semaphore_mem>>) src(%dma_wait3A_160 : memref<32768x32xf32, #tpu.memory_space<hbm>>) dst(%dma_wait3A_154 : memref<128x32xf32, #tpu.memory_space<vmem>>)
    %mul3A_161 = arith.constant 128 : i32
    %mul3A_162 = arith.muli %mul3A_2, %mul3A_161 : i32
    "tpu.region"() ({
      %run_scoped3A = tpu.sem_alloc : memref<!tpu.dma_semaphore, #tpu.memory_space<semaphore_mem>>
      %dma_start3A_163 = arith.constant 0 : i32
      %dma_start3A_164 = tpu.memref_slice %arg4[%mul3A_162, %dma_start3A_163] : memref<32768x32xf32, #tpu.memory_space<hbm>> -> memref<1024x32xf32, #tpu.memory_space<hbm>>
      %dma_start3A_165 = arith.constant 0 : i32
      %dma_start3A_166 = tpu.memref_slice %arg4[%mul3A_162, %dma_start3A_165] : memref<32768x32xf32, #tpu.memory_space<hbm>> -> memref<1024x32xf32, #tpu.memory_space<hbm>>
      tpu.enqueue_dma source(%arg6 : memref<1024x32xf32, #tpu.memory_space<vmem>>) target(%dma_start3A_166 : memref<1024x32xf32, #tpu.memory_space<hbm>>) target_semaphore(%run_scoped3A : memref<!tpu.dma_semaphore, #tpu.memory_space<semaphore_mem>>)
      %dma_wait3A_167 = arith.constant 0 : i32
      %dma_wait3A_168 = tpu.memref_slice %arg4[%mul3A_162, %dma_wait3A_167] : memref<32768x32xf32, #tpu.memory_space<hbm>> -> memref<1024x32xf32, #tpu.memory_space<hbm>>
      %dma_wait3A_169 = arith.constant 0 : i32
      %dma_wait3A_170 = tpu.memref_slice %arg4[%mul3A_162, %dma_wait3A_169] : memref<32768x32xf32, #tpu.memory_space<hbm>> -> memref<1024x32xf32, #tpu.memory_space<hbm>>
      tpu.wait_dma2 semaphore(%run_scoped3A : memref<!tpu.dma_semaphore, #tpu.memory_space<semaphore_mem>>) src(%arg6 : memref<1024x32xf32, #tpu.memory_space<vmem>>) dst(%dma_wait3A_170 : memref<1024x32xf32, #tpu.memory_space<hbm>>)
      tpu.yield
    }) : () -> ()
    return
  }
}

module attributes {stable_mosaic.version = 14 : i64} {
  func.func @_head_body(%arg0: i32, %arg1: memref<512x128xf32, #tpu.memory_space<vmem>>, %arg2: memref<512x128xf32, #tpu.memory_space<vmem>>, %arg3: memref<11x128x128xf32, #tpu.memory_space<vmem>>, %arg4: memref<16x128xf32, #tpu.memory_space<vmem>>, %arg5: memref<512x128xf32, #tpu.memory_space<vmem>>) attributes {dimension_semantics = [#tpu.dimension_semantics<arbitrary>], iteration_bounds = array<i64: 8>, scalar_prefetch = 0 : i64, scratch_operands = 0 : i64, tpu.core_type = #tpu.core_type<tc>, window_params = [{transform_indices = @transform_0, window_bounds = array<i64: 512, 128>}, {transform_indices = @transform_1, window_bounds = array<i64: 512, 128>}, {pipeline_mode = #tpu.pipeline_mode<synchronous>, transform_indices = @transform_2, window_bounds = array<i64: 11, 128, 128>}, {pipeline_mode = #tpu.pipeline_mode<synchronous>, transform_indices = @transform_3, window_bounds = array<i64: 16, 128>}, {transform_indices = @transform_4, window_bounds = array<i64: 512, 128>}]} {
    %get3A = arith.constant 0 : index
    %get3A_0 = arith.constant 0 : index
    %get3A_1 = vector.load %arg1[%get3A, %get3A_0] : memref<512x128xf32, #tpu.memory_space<vmem>>, vector<512x128xf32>
    %get3A_2 = arith.constant 0 : index
    %get3A_3 = arith.constant 0 : index
    %get3A_4 = vector.load %arg2[%get3A_2, %get3A_3] : memref<512x128xf32, #tpu.memory_space<vmem>>, vector<512x128xf32>
    %sub3A = arith.subf %get3A_1, %get3A_4 : vector<512x128xf32>
    %abs3A = math.absf %sub3A : vector<512x128xf32>
    %get3A_5 = arith.constant 0 : index
    %get3A_6 = arith.constant 0 : index
    %get3A_7 = arith.constant 0 : index
    %get3A_8 = vector.load %arg3[%get3A_5, %get3A_6, %get3A_7] : memref<11x128x128xf32, #tpu.memory_space<vmem>>, vector<11x128x128xf32>
    %slice3A = vector.extract_strided_slice %get3A_8 {offsets = [10, 0, 0], sizes = [1, 128, 128], strides = [1, 1, 1]} : vector<11x128x128xf32> to vector<1x128x128xf32>
    %squeeze3A = vector.shape_cast %slice3A : vector<1x128x128xf32> to vector<128x128xf32>
    %dot_general3A = arith.constant dense<0.000000e+00> : vector<512x128xf32>
    %dot_general3A_9 = tpu.matmul %abs3A, %squeeze3A, %dot_general3A {dimension_numbers = #tpu.dot_dimension_numbers<[1], [0], [0], [1], [0, 0, 1, 1], [], []>, transpose_lhs_hint = false} : vector<512x128xf32>, vector<128x128xf32>, vector<512x128xf32> -> vector<512x128xf32>
    %get3A_10 = arith.constant 0 : index
    %get3A_11 = arith.constant 0 : index
    %get3A_12 = vector.load %arg4[%get3A_10, %get3A_11] : memref<16x128xf32, #tpu.memory_space<vmem>>, vector<16x128xf32>
    %slice3A_13 = vector.extract_strided_slice %get3A_12 {offsets = [10, 0], sizes = [1, 128], strides = [1, 1]} : vector<16x128xf32> to vector<1x128xf32>
    %add3A = vector.broadcast %slice3A_13 : vector<1x128xf32> to vector<512x128xf32>
    %add3A_14 = arith.addf %dot_general3A_9, %add3A : vector<512x128xf32>
    %swap3A = arith.constant 0 : index
    %swap3A_15 = arith.constant 0 : index
    %swap3A_16 = vector.load %arg5[%swap3A, %swap3A_15] : memref<512x128xf32, #tpu.memory_space<vmem>>, vector<512x128xf32>
    tpu.vector_store %arg5[%swap3A, %swap3A_15], %add3A_14 {strides = array<i32>} : memref<512x128xf32, #tpu.memory_space<vmem>>, vector<512x128xf32>,
    return
  }
  func.func @transform_0(%arg0: i32) -> (i32, i32) {
    %c0_i32 = arith.constant 0 : i32
    %c0_i32_0 = arith.constant 0 : i32
    return %arg0, %c0_i32 : i32, i32
  }
  func.func @transform_1(%arg0: i32) -> (i32, i32) {
    %c0_i32 = arith.constant 0 : i32
    %c0_i32_0 = arith.constant 0 : i32
    return %arg0, %c0_i32 : i32, i32
  }
  func.func @transform_2(%arg0: i32) -> (i32, i32, i32) {
    %c0_i32 = arith.constant 0 : i32
    %c0_i32_0 = arith.constant 0 : i32
    %c0_i32_1 = arith.constant 0 : i32
    %c0_i32_2 = arith.constant 0 : i32
    return %c0_i32, %c0_i32_0, %c0_i32_1 : i32, i32, i32
  }
  func.func @transform_3(%arg0: i32) -> (i32, i32) {
    %c0_i32 = arith.constant 0 : i32
    %c0_i32_0 = arith.constant 0 : i32
    %c0_i32_1 = arith.constant 0 : i32
    return %c0_i32, %c0_i32_0 : i32, i32
  }
  func.func @transform_4(%arg0: i32) -> (i32, i32) {
    %c0_i32 = arith.constant 0 : i32
    %c0_i32_0 = arith.constant 0 : i32
    return %arg0, %c0_i32 : i32, i32
  }
}

module attributes {stable_mosaic.version = 14 : i64} {
  func.func @_dense_body(%arg0: i32, %arg1: memref<512x128xf32, #tpu.memory_space<vmem>>, %arg2: memref<512x128xf32, #tpu.memory_space<vmem>>, %arg3: memref<512x128xf32, #tpu.memory_space<vmem>>, %arg4: memref<11x128x128xf32, #tpu.memory_space<vmem>>, %arg5: memref<16x128xf32, #tpu.memory_space<vmem>>, %arg6: memref<2x512x128xf32, #tpu.memory_space<vmem>>) attributes {dimension_semantics = [#tpu.dimension_semantics<arbitrary>], iteration_bounds = array<i64: 8>, scalar_prefetch = 0 : i64, scratch_operands = 0 : i64, tpu.core_type = #tpu.core_type<tc>, window_params = [{transform_indices = @transform_0, window_bounds = array<i64: 512, 128>}, {transform_indices = @transform_1, window_bounds = array<i64: 512, 128>}, {transform_indices = @transform_2, window_bounds = array<i64: 512, 128>}, {pipeline_mode = #tpu.pipeline_mode<synchronous>, transform_indices = @transform_3, window_bounds = array<i64: 11, 128, 128>}, {pipeline_mode = #tpu.pipeline_mode<synchronous>, transform_indices = @transform_4, window_bounds = array<i64: 16, 128>}, {transform_indices = @transform_5, window_bounds = array<i64: 2, 512, 128>}]} {
    %get3A = arith.constant 0 : index
    %get3A_0 = arith.constant 0 : index
    %get3A_1 = vector.load %arg1[%get3A, %get3A_0] : memref<512x128xf32, #tpu.memory_space<vmem>>, vector<512x128xf32>
    %get3A_2 = arith.constant 0 : index
    %get3A_3 = arith.constant 0 : index
    %get3A_4 = vector.load %arg2[%get3A_2, %get3A_3] : memref<512x128xf32, #tpu.memory_space<vmem>>, vector<512x128xf32>
    %get3A_5 = arith.constant 0 : index
    %get3A_6 = arith.constant 0 : index
    %get3A_7 = arith.constant 0 : index
    %get3A_8 = vector.load %arg4[%get3A_5, %get3A_6, %get3A_7] : memref<11x128x128xf32, #tpu.memory_space<vmem>>, vector<11x128x128xf32>
    %get3A_9 = arith.constant 0 : index
    %get3A_10 = arith.constant 0 : index
    %get3A_11 = vector.load %arg5[%get3A_9, %get3A_10] : memref<16x128xf32, #tpu.memory_space<vmem>>, vector<16x128xf32>
    %get3A_12 = arith.constant 0 : index
    %get3A_13 = arith.constant 0 : index
    %get3A_14 = vector.load %arg3[%get3A_12, %get3A_13] : memref<512x128xf32, #tpu.memory_space<vmem>>, vector<512x128xf32>
    %slice3A = vector.extract_strided_slice %get3A_11 {offsets = [0, 0], sizes = [1, 128], strides = [1, 1]} : vector<16x128xf32> to vector<1x128xf32>
    %mul3A = vector.broadcast %slice3A : vector<1x128xf32> to vector<512x128xf32>
    %mul3A_15 = arith.mulf %get3A_14, %mul3A : vector<512x128xf32>
    %slice3A_16 = vector.extract_strided_slice %get3A_11 {offsets = [1, 0], sizes = [1, 128], strides = [1, 1]} : vector<16x128xf32> to vector<1x128xf32>
    %add3A = vector.broadcast %slice3A_16 : vector<1x128xf32> to vector<512x128xf32>
    %add3A_17 = arith.addf %mul3A_15, %add3A : vector<512x128xf32>
    %cos3A = math.cos %add3A_17 : vector<512x128xf32>
    %slice3A_18 = vector.extract_strided_slice %get3A_8 {offsets = [2, 0, 0], sizes = [1, 128, 128], strides = [1, 1, 1]} : vector<11x128x128xf32> to vector<1x128x128xf32>
    %squeeze3A = vector.shape_cast %slice3A_18 : vector<1x128x128xf32> to vector<128x128xf32>
    %dot_general3A = arith.constant dense<0.000000e+00> : vector<512x128xf32>
    %dot_general3A_19 = tpu.matmul %cos3A, %squeeze3A, %dot_general3A {dimension_numbers = #tpu.dot_dimension_numbers<[1], [0], [0], [1], [0, 0, 1, 1], [], []>, transpose_lhs_hint = false} : vector<512x128xf32>, vector<128x128xf32>, vector<512x128xf32> -> vector<512x128xf32>
    %slice3A_20 = vector.extract_strided_slice %get3A_11 {offsets = [2, 0], sizes = [1, 128], strides = [1, 1]} : vector<16x128xf32> to vector<1x128xf32>
    %add3A_21 = vector.broadcast %slice3A_20 : vector<1x128xf32> to vector<512x128xf32>
    %add3A_22 = arith.addf %dot_general3A_19, %add3A_21 : vector<512x128xf32>
    %slice3A_23 = vector.extract_strided_slice %get3A_8 {offsets = [0, 0, 0], sizes = [1, 128, 128], strides = [1, 1, 1]} : vector<11x128x128xf32> to vector<1x128x128xf32>
    %squeeze3A_24 = vector.shape_cast %slice3A_23 : vector<1x128x128xf32> to vector<128x128xf32>
    %dot_general3A_25 = arith.constant dense<0.000000e+00> : vector<512x128xf32>
    %dot_general3A_26 = tpu.matmul %get3A_1, %squeeze3A_24, %dot_general3A_25 {dimension_numbers = #tpu.dot_dimension_numbers<[1], [0], [0], [1], [0, 0, 1, 1], [], []>, transpose_lhs_hint = false} : vector<512x128xf32>, vector<128x128xf32>, vector<512x128xf32> -> vector<512x128xf32>
    %slice3A_27 = vector.extract_strided_slice %get3A_8 {offsets = [1, 0, 0], sizes = [1, 128, 128], strides = [1, 1, 1]} : vector<11x128x128xf32> to vector<1x128x128xf32>
    %squeeze3A_28 = vector.shape_cast %slice3A_27 : vector<1x128x128xf32> to vector<128x128xf32>
    %dot_general3A_29 = arith.constant dense<0.000000e+00> : vector<512x128xf32>
    %dot_general3A_30 = tpu.matmul %get3A_4, %squeeze3A_28, %dot_general3A_29 {dimension_numbers = #tpu.dot_dimension_numbers<[1], [0], [0], [1], [0, 0, 1, 1], [], []>, transpose_lhs_hint = false} : vector<512x128xf32>, vector<128x128xf32>, vector<512x128xf32> -> vector<512x128xf32>
    %add3A_31 = arith.addf %dot_general3A_26, %dot_general3A_30 : vector<512x128xf32>
    %add3A_32 = arith.addf %add3A_31, %add3A_22 : vector<512x128xf32>
    %slice3A_33 = vector.extract_strided_slice %get3A_8 {offsets = [0, 0, 0], sizes = [1, 128, 128], strides = [1, 1, 1]} : vector<11x128x128xf32> to vector<1x128x128xf32>
    %squeeze3A_34 = vector.shape_cast %slice3A_33 : vector<1x128x128xf32> to vector<128x128xf32>
    %dot_general3A_35 = arith.constant dense<0.000000e+00> : vector<512x128xf32>
    %dot_general3A_36 = tpu.matmul %get3A_4, %squeeze3A_34, %dot_general3A_35 {dimension_numbers = #tpu.dot_dimension_numbers<[1], [0], [0], [1], [0, 0, 1, 1], [], []>, transpose_lhs_hint = false} : vector<512x128xf32>, vector<128x128xf32>, vector<512x128xf32> -> vector<512x128xf32>
    %slice3A_37 = vector.extract_strided_slice %get3A_8 {offsets = [1, 0, 0], sizes = [1, 128, 128], strides = [1, 1, 1]} : vector<11x128x128xf32> to vector<1x128x128xf32>
    %squeeze3A_38 = vector.shape_cast %slice3A_37 : vector<1x128x128xf32> to vector<128x128xf32>
    %dot_general3A_39 = arith.constant dense<0.000000e+00> : vector<512x128xf32>
    %dot_general3A_40 = tpu.matmul %get3A_1, %squeeze3A_38, %dot_general3A_39 {dimension_numbers = #tpu.dot_dimension_numbers<[1], [0], [0], [1], [0, 0, 1, 1], [], []>, transpose_lhs_hint = false} : vector<512x128xf32>, vector<128x128xf32>, vector<512x128xf32> -> vector<512x128xf32>
    %add3A_41 = arith.addf %dot_general3A_36, %dot_general3A_40 : vector<512x128xf32>
    %add3A_42 = arith.addf %add3A_41, %add3A_22 : vector<512x128xf32>
    %slice3A_43 = vector.extract_strided_slice %get3A_8 {offsets = [3, 0, 0], sizes = [1, 128, 128], strides = [1, 1, 1]} : vector<11x128x128xf32> to vector<1x128x128xf32>
    %squeeze3A_44 = vector.shape_cast %slice3A_43 : vector<1x128x128xf32> to vector<128x128xf32>
    %dot_general3A_45 = arith.constant dense<0.000000e+00> : vector<512x128xf32>
    %dot_general3A_46 = tpu.matmul %add3A_32, %squeeze3A_44, %dot_general3A_45 {dimension_numbers = #tpu.dot_dimension_numbers<[1], [0], [0], [1], [0, 0, 1, 1], [], []>, transpose_lhs_hint = false} : vector<512x128xf32>, vector<128x128xf32>, vector<512x128xf32> -> vector<512x128xf32>
    %slice3A_47 = vector.extract_strided_slice %get3A_11 {offsets = [3, 0], sizes = [1, 128], strides = [1, 1]} : vector<16x128xf32> to vector<1x128xf32>
    %add3A_48 = vector.broadcast %slice3A_47 : vector<1x128xf32> to vector<512x128xf32>
    %add3A_49 = arith.addf %dot_general3A_46, %add3A_48 : vector<512x128xf32>
    %slice3A_50 = vector.extract_strided_slice %get3A_8 {offsets = [6, 0, 0], sizes = [1, 128, 128], strides = [1, 1, 1]} : vector<11x128x128xf32> to vector<1x128x128xf32>
    %squeeze3A_51 = vector.shape_cast %slice3A_50 : vector<1x128x128xf32> to vector<128x128xf32>
    %dot_general3A_52 = arith.constant dense<0.000000e+00> : vector<512x128xf32>
    %dot_general3A_53 = tpu.matmul %get3A_1, %squeeze3A_51, %dot_general3A_52 {dimension_numbers = #tpu.dot_dimension_numbers<[1], [0], [0], [1], [0, 0, 1, 1], [], []>, transpose_lhs_hint = false} : vector<512x128xf32>, vector<128x128xf32>, vector<512x128xf32> -> vector<512x128xf32>
    %add3A_54 = arith.addf %add3A_49, %dot_general3A_53 : vector<512x128xf32>
    %slice3A_55 = vector.extract_strided_slice %get3A_11 {offsets = [6, 0], sizes = [1, 128], strides = [1, 1]} : vector<16x128xf32> to vector<1x128xf32>
    %add3A_56 = vector.broadcast %slice3A_55 : vector<1x128xf32> to vector<512x128xf32>
    %add3A_57 = arith.addf %add3A_54, %add3A_56 : vector<512x128xf32>
    %neg3A = arith.constant 0.000000e+00 : f32
    %neg3A_58 = vector.broadcast %neg3A : f32 to vector<512x128xf32>
    %neg3A_59 = arith.subf %neg3A_58, %add3A_57 : vector<512x128xf32>
    %exp3A = math.exp %neg3A_59 : vector<512x128xf32>
    %add3A_60 = arith.constant 1.000000e+00 : f32
    %add3A_61 = vector.broadcast %add3A_60 : f32 to vector<512x128xf32>
    %add3A_62 = arith.addf %add3A_61, %exp3A : vector<512x128xf32>
    %div3A = arith.constant 1.000000e+00 : f32
    %div3A_63 = vector.broadcast %div3A : f32 to vector<512x128xf32>
    %div3A_64 = arith.divf %div3A_63, %add3A_62 : vector<512x128xf32>
    %slice3A_65 = vector.extract_strided_slice %get3A_8 {offsets = [4, 0, 0], sizes = [1, 128, 128], strides = [1, 1, 1]} : vector<11x128x128xf32> to vector<1x128x128xf32>
    %squeeze3A_66 = vector.shape_cast %slice3A_65 : vector<1x128x128xf32> to vector<128x128xf32>
    %dot_general3A_67 = arith.constant dense<0.000000e+00> : vector<512x128xf32>
    %dot_general3A_68 = tpu.matmul %add3A_32, %squeeze3A_66, %dot_general3A_67 {dimension_numbers = #tpu.dot_dimension_numbers<[1], [0], [0], [1], [0, 0, 1, 1], [], []>, transpose_lhs_hint = false} : vector<512x128xf32>, vector<128x128xf32>, vector<512x128xf32> -> vector<512x128xf32>
    %slice3A_69 = vector.extract_strided_slice %get3A_11 {offsets = [4, 0], sizes = [1, 128], strides = [1, 1]} : vector<16x128xf32> to vector<1x128xf32>
    %add3A_70 = vector.broadcast %slice3A_69 : vector<1x128xf32> to vector<512x128xf32>
    %add3A_71 = arith.addf %dot_general3A_68, %add3A_70 : vector<512x128xf32>
    %slice3A_72 = vector.extract_strided_slice %get3A_8 {offsets = [7, 0, 0], sizes = [1, 128, 128], strides = [1, 1, 1]} : vector<11x128x128xf32> to vector<1x128x128xf32>
    %squeeze3A_73 = vector.shape_cast %slice3A_72 : vector<1x128x128xf32> to vector<128x128xf32>
    %dot_general3A_74 = arith.constant dense<0.000000e+00> : vector<512x128xf32>
    %dot_general3A_75 = tpu.matmul %get3A_1, %squeeze3A_73, %dot_general3A_74 {dimension_numbers = #tpu.dot_dimension_numbers<[1], [0], [0], [1], [0, 0, 1, 1], [], []>, transpose_lhs_hint = false} : vector<512x128xf32>, vector<128x128xf32>, vector<512x128xf32> -> vector<512x128xf32>
    %add3A_76 = arith.addf %add3A_71, %dot_general3A_75 : vector<512x128xf32>
    %slice3A_77 = vector.extract_strided_slice %get3A_11 {offsets = [7, 0], sizes = [1, 128], strides = [1, 1]} : vector<16x128xf32> to vector<1x128xf32>
    %add3A_78 = vector.broadcast %slice3A_77 : vector<1x128xf32> to vector<512x128xf32>
    %add3A_79 = arith.addf %add3A_76, %add3A_78 : vector<512x128xf32>
    %neg3A_80 = arith.constant 0.000000e+00 : f32
    %neg3A_81 = vector.broadcast %neg3A_80 : f32 to vector<512x128xf32>
    %neg3A_82 = arith.subf %neg3A_81, %add3A_79 : vector<512x128xf32>
    %exp3A_83 = math.exp %neg3A_82 : vector<512x128xf32>
    %add3A_84 = arith.constant 1.000000e+00 : f32
    %add3A_85 = vector.broadcast %add3A_84 : f32 to vector<512x128xf32>
    %add3A_86 = arith.addf %add3A_85, %exp3A_83 : vector<512x128xf32>
    %div3A_87 = arith.constant 1.000000e+00 : f32
    %div3A_88 = vector.broadcast %div3A_87 : f32 to vector<512x128xf32>
    %div3A_89 = arith.divf %div3A_88, %add3A_86 : vector<512x128xf32>
    %slice3A_90 = vector.extract_strided_slice %get3A_8 {offsets = [5, 0, 0], sizes = [1, 128, 128], strides = [1, 1, 1]} : vector<11x128x128xf32> to vector<1x128x128xf32>
    %squeeze3A_91 = vector.shape_cast %slice3A_90 : vector<1x128x128xf32> to vector<128x128xf32>
    %dot_general3A_92 = arith.constant dense<0.000000e+00> : vector<512x128xf32>
    %dot_general3A_93 = tpu.matmul %add3A_32, %squeeze3A_91, %dot_general3A_92 {dimension_numbers = #tpu.dot_dimension_numbers<[1], [0], [0], [1], [0, 0, 1, 1], [], []>, transpose_lhs_hint = false} : vector<512x128xf32>, vector<128x128xf32>, vector<512x128xf32> -> vector<512x128xf32>
    %slice3A_94 = vector.extract_strided_slice %get3A_11 {offsets = [5, 0], sizes = [1, 128], strides = [1, 1]} : vector<16x128xf32> to vector<1x128xf32>
    %add3A_95 = vector.broadcast %slice3A_94 : vector<1x128xf32> to vector<512x128xf32>
    %add3A_96 = arith.addf %dot_general3A_93, %add3A_95 : vector<512x128xf32>
    %slice3A_97 = vector.extract_strided_slice %get3A_8 {offsets = [8, 0, 0], sizes = [1, 128, 128], strides = [1, 1, 1]} : vector<11x128x128xf32> to vector<1x128x128xf32>
    %squeeze3A_98 = vector.shape_cast %slice3A_97 : vector<1x128x128xf32> to vector<128x128xf32>
    %dot_general3A_99 = arith.constant dense<0.000000e+00> : vector<512x128xf32>
    %dot_general3A_100 = tpu.matmul %get3A_1, %squeeze3A_98, %dot_general3A_99 {dimension_numbers = #tpu.dot_dimension_numbers<[1], [0], [0], [1], [0, 0, 1, 1], [], []>, transpose_lhs_hint = false} : vector<512x128xf32>, vector<128x128xf32>, vector<512x128xf32> -> vector<512x128xf32>
    %slice3A_101 = vector.extract_strided_slice %get3A_11 {offsets = [8, 0], sizes = [1, 128], strides = [1, 1]} : vector<16x128xf32> to vector<1x128xf32>
    %add3A_102 = vector.broadcast %slice3A_101 : vector<1x128xf32> to vector<512x128xf32>
    %add3A_103 = arith.addf %dot_general3A_100, %add3A_102 : vector<512x128xf32>
    %mul3A_104 = arith.mulf %div3A_64, %add3A_103 : vector<512x128xf32>
    %add3A_105 = arith.addf %add3A_96, %mul3A_104 : vector<512x128xf32>
    %tanh3A = math.tanh %add3A_105 : vector<512x128xf32>
    %sub3A = arith.constant 1.000000e+00 : f32
    %sub3A_106 = vector.broadcast %sub3A : f32 to vector<512x128xf32>
    %sub3A_107 = arith.subf %sub3A_106, %div3A_89 : vector<512x128xf32>
    %mul3A_108 = arith.mulf %sub3A_107, %tanh3A : vector<512x128xf32>
    %mul3A_109 = arith.mulf %div3A_89, %get3A_1 : vector<512x128xf32>
    %add3A_110 = arith.addf %mul3A_108, %mul3A_109 : vector<512x128xf32>
    %slice3A_111 = vector.extract_strided_slice %get3A_8 {offsets = [3, 0, 0], sizes = [1, 128, 128], strides = [1, 1, 1]} : vector<11x128x128xf32> to vector<1x128x128xf32>
    %squeeze3A_112 = vector.shape_cast %slice3A_111 : vector<1x128x128xf32> to vector<128x128xf32>
    %dot_general3A_113 = arith.constant dense<0.000000e+00> : vector<512x128xf32>
    %dot_general3A_114 = tpu.matmul %add3A_42, %squeeze3A_112, %dot_general3A_113 {dimension_numbers = #tpu.dot_dimension_numbers<[1], [0], [0], [1], [0, 0, 1, 1], [], []>, transpose_lhs_hint = false} : vector<512x128xf32>, vector<128x128xf32>, vector<512x128xf32> -> vector<512x128xf32>
    %slice3A_115 = vector.extract_strided_slice %get3A_11 {offsets = [3, 0], sizes = [1, 128], strides = [1, 1]} : vector<16x128xf32> to vector<1x128xf32>
    %add3A_116 = vector.broadcast %slice3A_115 : vector<1x128xf32> to vector<512x128xf32>
    %add3A_117 = arith.addf %dot_general3A_114, %add3A_116 : vector<512x128xf32>
    %slice3A_118 = vector.extract_strided_slice %get3A_8 {offsets = [6, 0, 0], sizes = [1, 128, 128], strides = [1, 1, 1]} : vector<11x128x128xf32> to vector<1x128x128xf32>
    %squeeze3A_119 = vector.shape_cast %slice3A_118 : vector<1x128x128xf32> to vector<128x128xf32>
    %dot_general3A_120 = arith.constant dense<0.000000e+00> : vector<512x128xf32>
    %dot_general3A_121 = tpu.matmul %get3A_4, %squeeze3A_119, %dot_general3A_120 {dimension_numbers = #tpu.dot_dimension_numbers<[1], [0], [0], [1], [0, 0, 1, 1], [], []>, transpose_lhs_hint = false} : vector<512x128xf32>, vector<128x128xf32>, vector<512x128xf32> -> vector<512x128xf32>
    %add3A_122 = arith.addf %add3A_117, %dot_general3A_121 : vector<512x128xf32>
    %slice3A_123 = vector.extract_strided_slice %get3A_11 {offsets = [6, 0], sizes = [1, 128], strides = [1, 1]} : vector<16x128xf32> to vector<1x128xf32>
    %add3A_124 = vector.broadcast %slice3A_123 : vector<1x128xf32> to vector<512x128xf32>
    %add3A_125 = arith.addf %add3A_122, %add3A_124 : vector<512x128xf32>
    %neg3A_126 = arith.constant 0.000000e+00 : f32
    %neg3A_127 = vector.broadcast %neg3A_126 : f32 to vector<512x128xf32>
    %neg3A_128 = arith.subf %neg3A_127, %add3A_125 : vector<512x128xf32>
    %exp3A_129 = math.exp %neg3A_128 : vector<512x128xf32>
    %add3A_130 = arith.constant 1.000000e+00 : f32
    %add3A_131 = vector.broadcast %add3A_130 : f32 to vector<512x128xf32>
    %add3A_132 = arith.addf %add3A_131, %exp3A_129 : vector<512x128xf32>
    %div3A_133 = arith.constant 1.000000e+00 : f32
    %div3A_134 = vector.broadcast %div3A_133 : f32 to vector<512x128xf32>
    %div3A_135 = arith.divf %div3A_134, %add3A_132 : vector<512x128xf32>
    %slice3A_136 = vector.extract_strided_slice %get3A_8 {offsets = [4, 0, 0], sizes = [1, 128, 128], strides = [1, 1, 1]} : vector<11x128x128xf32> to vector<1x128x128xf32>
    %squeeze3A_137 = vector.shape_cast %slice3A_136 : vector<1x128x128xf32> to vector<128x128xf32>
    %dot_general3A_138 = arith.constant dense<0.000000e+00> : vector<512x128xf32>
    %dot_general3A_139 = tpu.matmul %add3A_42, %squeeze3A_137, %dot_general3A_138 {dimension_numbers = #tpu.dot_dimension_numbers<[1], [0], [0], [1], [0, 0, 1, 1], [], []>, transpose_lhs_hint = false} : vector<512x128xf32>, vector<128x128xf32>, vector<512x128xf32> -> vector<512x128xf32>
    %slice3A_140 = vector.extract_strided_slice %get3A_11 {offsets = [4, 0], sizes = [1, 128], strides = [1, 1]} : vector<16x128xf32> to vector<1x128xf32>
    %add3A_141 = vector.broadcast %slice3A_140 : vector<1x128xf32> to vector<512x128xf32>
    %add3A_142 = arith.addf %dot_general3A_139, %add3A_141 : vector<512x128xf32>
    %slice3A_143 = vector.extract_strided_slice %get3A_8 {offsets = [7, 0, 0], sizes = [1, 128, 128], strides = [1, 1, 1]} : vector<11x128x128xf32> to vector<1x128x128xf32>
    %squeeze3A_144 = vector.shape_cast %slice3A_143 : vector<1x128x128xf32> to vector<128x128xf32>
    %dot_general3A_145 = arith.constant dense<0.000000e+00> : vector<512x128xf32>
    %dot_general3A_146 = tpu.matmul %get3A_4, %squeeze3A_144, %dot_general3A_145 {dimension_numbers = #tpu.dot_dimension_numbers<[1], [0], [0], [1], [0, 0, 1, 1], [], []>, transpose_lhs_hint = false} : vector<512x128xf32>, vector<128x128xf32>, vector<512x128xf32> -> vector<512x128xf32>
    %add3A_147 = arith.addf %add3A_142, %dot_general3A_146 : vector<512x128xf32>
    %slice3A_148 = vector.extract_strided_slice %get3A_11 {offsets = [7, 0], sizes = [1, 128], strides = [1, 1]} : vector<16x128xf32> to vector<1x128xf32>
    %add3A_149 = vector.broadcast %slice3A_148 : vector<1x128xf32> to vector<512x128xf32>
    %add3A_150 = arith.addf %add3A_147, %add3A_149 : vector<512x128xf32>
    %neg3A_151 = arith.constant 0.000000e+00 : f32
    %neg3A_152 = vector.broadcast %neg3A_151 : f32 to vector<512x128xf32>
    %neg3A_153 = arith.subf %neg3A_152, %add3A_150 : vector<512x128xf32>
    %exp3A_154 = math.exp %neg3A_153 : vector<512x128xf32>
    %add3A_155 = arith.constant 1.000000e+00 : f32
    %add3A_156 = vector.broadcast %add3A_155 : f32 to vector<512x128xf32>
    %add3A_157 = arith.addf %add3A_156, %exp3A_154 : vector<512x128xf32>
    %div3A_158 = arith.constant 1.000000e+00 : f32
    %div3A_159 = vector.broadcast %div3A_158 : f32 to vector<512x128xf32>
    %div3A_160 = arith.divf %div3A_159, %add3A_157 : vector<512x128xf32>
    %slice3A_161 = vector.extract_strided_slice %get3A_8 {offsets = [5, 0, 0], sizes = [1, 128, 128], strides = [1, 1, 1]} : vector<11x128x128xf32> to vector<1x128x128xf32>
    %squeeze3A_162 = vector.shape_cast %slice3A_161 : vector<1x128x128xf32> to vector<128x128xf32>
    %dot_general3A_163 = arith.constant dense<0.000000e+00> : vector<512x128xf32>
    %dot_general3A_164 = tpu.matmul %add3A_42, %squeeze3A_162, %dot_general3A_163 {dimension_numbers = #tpu.dot_dimension_numbers<[1], [0], [0], [1], [0, 0, 1, 1], [], []>, transpose_lhs_hint = false} : vector<512x128xf32>, vector<128x128xf32>, vector<512x128xf32> -> vector<512x128xf32>
    %slice3A_165 = vector.extract_strided_slice %get3A_11 {offsets = [5, 0], sizes = [1, 128], strides = [1, 1]} : vector<16x128xf32> to vector<1x128xf32>
    %add3A_166 = vector.broadcast %slice3A_165 : vector<1x128xf32> to vector<512x128xf32>
    %add3A_167 = arith.addf %dot_general3A_164, %add3A_166 : vector<512x128xf32>
    %slice3A_168 = vector.extract_strided_slice %get3A_8 {offsets = [8, 0, 0], sizes = [1, 128, 128], strides = [1, 1, 1]} : vector<11x128x128xf32> to vector<1x128x128xf32>
    %squeeze3A_169 = vector.shape_cast %slice3A_168 : vector<1x128x128xf32> to vector<128x128xf32>
    %dot_general3A_170 = arith.constant dense<0.000000e+00> : vector<512x128xf32>
    %dot_general3A_171 = tpu.matmul %get3A_4, %squeeze3A_169, %dot_general3A_170 {dimension_numbers = #tpu.dot_dimension_numbers<[1], [0], [0], [1], [0, 0, 1, 1], [], []>, transpose_lhs_hint = false} : vector<512x128xf32>, vector<128x128xf32>, vector<512x128xf32> -> vector<512x128xf32>
    %slice3A_172 = vector.extract_strided_slice %get3A_11 {offsets = [8, 0], sizes = [1, 128], strides = [1, 1]} : vector<16x128xf32> to vector<1x128xf32>
    %add3A_173 = vector.broadcast %slice3A_172 : vector<1x128xf32> to vector<512x128xf32>
    %add3A_174 = arith.addf %dot_general3A_171, %add3A_173 : vector<512x128xf32>
    %mul3A_175 = arith.mulf %div3A_135, %add3A_174 : vector<512x128xf32>
    %add3A_176 = arith.addf %add3A_167, %mul3A_175 : vector<512x128xf32>
    %tanh3A_177 = math.tanh %add3A_176 : vector<512x128xf32>
    %sub3A_178 = arith.constant 1.000000e+00 : f32
    %sub3A_179 = vector.broadcast %sub3A_178 : f32 to vector<512x128xf32>
    %sub3A_180 = arith.subf %sub3A_179, %div3A_160 : vector<512x128xf32>
    %mul3A_181 = arith.mulf %sub3A_180, %tanh3A_177 : vector<512x128xf32>
    %mul3A_182 = arith.mulf %div3A_160, %get3A_4 : vector<512x128xf32>
    %add3A_183 = arith.addf %mul3A_181, %mul3A_182 : vector<512x128xf32>
    %slice3A_184 = vector.extract_strided_slice %get3A_8 {offsets = [9, 0, 0], sizes = [1, 128, 128], strides = [1, 1, 1]} : vector<11x128x128xf32> to vector<1x128x128xf32>
    %squeeze3A_185 = vector.shape_cast %slice3A_184 : vector<1x128x128xf32> to vector<128x128xf32>
    %dot_general3A_186 = arith.constant dense<0.000000e+00> : vector<512x128xf32>
    %dot_general3A_187 = tpu.matmul %add3A_110, %squeeze3A_185, %dot_general3A_186 {dimension_numbers = #tpu.dot_dimension_numbers<[1], [0], [0], [1], [0, 0, 1, 1], [], []>, transpose_lhs_hint = false} : vector<512x128xf32>, vector<128x128xf32>, vector<512x128xf32> -> vector<512x128xf32>
    %slice3A_188 = vector.extract_strided_slice %get3A_11 {offsets = [9, 0], sizes = [1, 128], strides = [1, 1]} : vector<16x128xf32> to vector<1x128xf32>
    %add3A_189 = vector.broadcast %slice3A_188 : vector<1x128xf32> to vector<512x128xf32>
    %add3A_190 = arith.addf %dot_general3A_187, %add3A_189 : vector<512x128xf32>
    %max3A = arith.constant 0.000000e+00 : f32
    %max3A_191 = vector.broadcast %max3A : f32 to vector<512x128xf32>
    %max3A_192 = arith.maximumf %add3A_190, %max3A_191 : vector<512x128xf32>
    %swap3A = arith.constant 0 : index
    %swap3A_193 = arith.constant 0 : index
    %swap3A_194 = arith.constant 0 : index
    %swap3A_195 = vector.load %arg6[%swap3A, %swap3A_193, %swap3A_194] : memref<2x512x128xf32, #tpu.memory_space<vmem>>, vector<1x512x128xf32>
    %swap3A_196 = vector.shape_cast %swap3A_195 : vector<1x512x128xf32> to vector<512x128xf32>
    %swap3A_197 = vector.shape_cast %max3A_192 : vector<512x128xf32> to vector<1x512x128xf32>
    tpu.vector_store %arg6[%swap3A, %swap3A_193, %swap3A_194], %swap3A_197 {strides = array<i32>} : memref<2x512x128xf32, #tpu.memory_space<vmem>>, vector<1x512x128xf32>,
    %slice3A_198 = vector.extract_strided_slice %get3A_8 {offsets = [9, 0, 0], sizes = [1, 128, 128], strides = [1, 1, 1]} : vector<11x128x128xf32> to vector<1x128x128xf32>
    %squeeze3A_199 = vector.shape_cast %slice3A_198 : vector<1x128x128xf32> to vector<128x128xf32>
    %dot_general3A_200 = arith.constant dense<0.000000e+00> : vector<512x128xf32>
    %dot_general3A_201 = tpu.matmul %add3A_183, %squeeze3A_199, %dot_general3A_200 {dimension_numbers = #tpu.dot_dimension_numbers<[1], [0], [0], [1], [0, 0, 1, 1], [], []>, transpose_lhs_hint = false} : vector<512x128xf32>, vector<128x128xf32>, vector<512x128xf32> -> vector<512x128xf32>
    %slice3A_202 = vector.extract_strided_slice %get3A_11 {offsets = [9, 0], sizes = [1, 128], strides = [1, 1]} : vector<16x128xf32> to vector<1x128xf32>
    %add3A_203 = vector.broadcast %slice3A_202 : vector<1x128xf32> to vector<512x128xf32>
    %add3A_204 = arith.addf %dot_general3A_201, %add3A_203 : vector<512x128xf32>
    %max3A_205 = arith.constant 0.000000e+00 : f32
    %max3A_206 = vector.broadcast %max3A_205 : f32 to vector<512x128xf32>
    %max3A_207 = arith.maximumf %add3A_204, %max3A_206 : vector<512x128xf32>
    %swap3A_208 = arith.constant 1 : index
    %swap3A_209 = arith.constant 0 : index
    %swap3A_210 = arith.constant 0 : index
    %swap3A_211 = vector.load %arg6[%swap3A_208, %swap3A_209, %swap3A_210] : memref<2x512x128xf32, #tpu.memory_space<vmem>>, vector<1x512x128xf32>
    %swap3A_212 = vector.shape_cast %swap3A_211 : vector<1x512x128xf32> to vector<512x128xf32>
    %swap3A_213 = vector.shape_cast %max3A_207 : vector<512x128xf32> to vector<1x512x128xf32>
    tpu.vector_store %arg6[%swap3A_208, %swap3A_209, %swap3A_210], %swap3A_213 {strides = array<i32>} : memref<2x512x128xf32, #tpu.memory_space<vmem>>, vector<1x512x128xf32>,
    return
  }
  func.func @transform_0(%arg0: i32) -> (i32, i32) {
    %c0_i32 = arith.constant 0 : i32
    %c0_i32_0 = arith.constant 0 : i32
    return %arg0, %c0_i32 : i32, i32
  }
  func.func @transform_1(%arg0: i32) -> (i32, i32) {
    %c0_i32 = arith.constant 0 : i32
    %c0_i32_0 = arith.constant 0 : i32
    return %arg0, %c0_i32 : i32, i32
  }
  func.func @transform_2(%arg0: i32) -> (i32, i32) {
    %c0_i32 = arith.constant 0 : i32
    %c0_i32_0 = arith.constant 0 : i32
    return %arg0, %c0_i32 : i32, i32
  }
  func.func @transform_3(%arg0: i32) -> (i32, i32, i32) {
    %c0_i32 = arith.constant 0 : i32
    %c0_i32_0 = arith.constant 0 : i32
    %c0_i32_1 = arith.constant 0 : i32
    %c0_i32_2 = arith.constant 0 : i32
    return %c0_i32, %c0_i32_0, %c0_i32_1 : i32, i32, i32
  }
  func.func @transform_4(%arg0: i32) -> (i32, i32) {
    %c0_i32 = arith.constant 0 : i32
    %c0_i32_0 = arith.constant 0 : i32
    %c0_i32_1 = arith.constant 0 : i32
    return %c0_i32, %c0_i32_0 : i32, i32
  }
  func.func @transform_5(%arg0: i32) -> (i32, i32, i32) {
    %c0_i32 = arith.constant 0 : i32
    %c0_i32_0 = arith.constant 0 : i32
    %c0_i32_1 = arith.constant 0 : i32
    return %c0_i32, %arg0, %c0_i32_0 : i32, i32, i32
  }
}

</mosaic_0001>

<sc_bundles>
// kernel: kernel.10.cloned.1.call-start
scs
__scs_entry_jumppad:
0x0: {  	(pc) =	sbr.rel $0x88, $3  }
0x1: {  	(tag) =	ssettag $0x0;
	lr =	simm.s32 $0x1  }
0x2: {  	[smem:$0x3F91] =	sst lr;
	_ =	strace $0xD0000000  }
0x3: {  	_ = 	snop  }
0x4: {  	_ = 	snop  }
0x5: {  	_ = 	snop  }
0x6: {  	_ = 	snop  }
0x7: {  	_ = 	snop  }
__scs_overlays_trampoline_lowered:
0x8: {  	[smem:$0x3FA0] =	sst s0  }
0x9: {  	[smem:$0x3FA1] =	sst s1  }
0xa: {  	[smem:$0x3FA2] =	sst s2  }
0xb: {  	[smem:$0x3FA3] =	sst s3  }
0xc: {  	[smem:$0x3FA4] =	sst s4  }
0xd: {  	[smem:$0x3FA5] =	sst s5  }
0xe: {  	[smem:$0x3FA6] =	sst s6  }
0xf: {  	[smem:$0x3FA7] =	sst s7  }
0x10: {  	[smem:$0x3FA8] =	sst s8  }
0x11: {  	[smem:$0x3FA9] =	sst s9;
	s0 =	simm.s32 @!p0 $0x0  }
0x12: {  	s1 =	sld [smem:$0x3F8F];
	s0 =	simm.s32 @p0 $0x1  }
0x13: {  	[smem:$0x3FAA] =	sst s0;
	s0 =	simm.s32 @!p1 $0x0  }
0x14: {  	s2 =	sld [smem:$0x3F8E];
	s0 =	simm.s32 @p1 $0x1  }
0x15: {  	[smem:$0x3FAB] =	sst s0;
	s0 =	simm.s32 @!p2 $0x0  }
0x16: {  	s3 =	sld [smem:$0x3FDB];
	s0 =	simm.s32 @p2 $0x1  }
0x17: {  	s4 =	simm.s32 $0x1BF5;
	[smem:$0x3FAD] =	sst s0  }
0x18: {  	s0 =	sld [smem:$0x3F90];
	_ =	swait.ge [sflag:s4], $0x0  }
0x19: {  	s7 =	sld [smem:$0x3F91]  }
0x1a: {  	s8 =	sadd.s32 $0xFFFFE003, lr  }
0x1b: {  	s9 =	sadd.s32 $0xFFFFFEF7, lr;
	s5 =	simm.s32 $0xFFFFFFFF;
	p2 =	slt.u32 s8, $0xFFFFF086  }
0x1c: {  	p1 =	slt.u32 s9, $0xF7A;
	s5 =	simm.s32 @!p2 $0x0  }
0x1d: {  	s5 =	simm.s32 @p1 $0x1;
	p0 =	seq.s32 s7, s2  }
0x1e: {  	s7 =	smul.u32 @!p0 $0xF7A, s2;
	p2 =	seq.s32 @!p0 s5, $0x0  }
0x1f: {  	s9 =	smul.u32 $0xF7A, s1;
	s8 =	simm.s32 @!p0 $0x1BF5;
	p2 =	por !p2, p0  }
0x20: {  	[sflag:s8] =	ssyncset.s32 @!p0 $0xFFFFF086;
	s6 =	sadd.s32 @!p0 s3, s7;
	s7 =	simm.s32 @!p0 $0x108  }
0x21: {  	s3 =	sadd.s32 s3, s9;
	s6 =	sadd.s32 @!p0 $0x88, s6;
	s7 =	simm.s32 @p2 $0x1082  }
0x22: {  	[simem:s7], [sflag:s8] =	dma.local @!p0 [hbm:s6], $0xF7A  }
0x23: {  	s9 =	sor.u32 $0xD0000000, s2;
	s6 =	simm.s32 $0x108;
	_ =	swait.ge @!p0 [sflag:s8], $0x0  }
0x24: {  	s3 =	sadd.s32 $0x88, s3;
	s6 =	simm.s32 @!p1 $0x1082;
	[sflag:s4] =	ssyncset.s32 $0xFFFFF086  }
0x25: {  	[simem:s6], [sflag:s4] =	dma.local [hbm:s3], $0xF7A  }
0x26: {  	[smem:$0x3F91] =	sst s1;
	(tag) =	ssettag s2;
	_ =	strace s9  }
0x27: {  	s1 =	sld [smem:$0x3FA1]  }
0x28: {  	s2 =	sld [smem:$0x3FA2]  }
0x29: {  	s4 =	sld [smem:$0x3FA4]  }
0x2a: {  	p0 =	seq.s32 s5, $0x0;
	s5 =	sld [smem:$0x3FA5]  }
0x2b: {  	s6 =	sld [smem:$0x3FA6]  }
0x2c: {  	s7 =	sld [smem:$0x3FA7]  }
0x2d: {  	s3 =	simm.s32 $0x108;
	s8 =	sld [smem:$0x3FA8]  }
0x2e: {  	s3 =	simm.s32 @!p0 $0x1082;
	s9 =	sld [smem:$0x3FA9]  }
0x2f: {  	lr =	sadd.s32 s0, s3;
	s0 =	sld [smem:$0x3FA0]  }
0x30: {  	s3 =	sld [smem:$0x3FA3]  }
0x31: {  	[smem:$0x3FAC] =	sst s10  }
0x32: {  	s10 =	sld [smem:$0x3FAA];
	_ =	sdelay $0x3  }
0x33: {  	p0 =	seq.s32 s10, $0x1;
	s10 =	sld [smem:$0x3FAC];
	_ =	sdelay $0x3  }
0x34: {  	[smem:$0x3FAC] =	sst s10  }
0x35: {  	s10 =	sld [smem:$0x3FAB];
	_ =	sdelay $0x3  }
0x36: {  	p1 =	seq.s32 s10, $0x1;
	s10 =	sld [smem:$0x3FAC];
	_ =	sdelay $0x3  }
0x37: {  	[smem:$0x3FAC] =	sst s10  }
0x38: {  	s10 =	sld [smem:$0x3FAD]  }
0x39: {  	_ = 	snop;
	(pc) =	sbr.ind lr, $3  }
0x3a: {  	_ = 	snop  }
0x3b: {  	_ = 	snop  }
0x3c: {  	p2 =	seq.s32 s10, $0x1;
	s10 =	sld [smem:$0x3FAC]  }
0x3d: {  	_ =	shalt  }
0x3e: {  	_ =	shalt  }
0x3f: {  	_ =	shalt  }
0x40: {  	_ =	shalt  }
0x41: {  	_ =	shalt  }
0x42: {  	_ =	shalt  }
0x43: {  	_ =	shalt  }
0x44: {  	_ =	shalt  }
0x45: {  	_ =	shalt  }
0x46: {  	_ =	shalt  }
0x47: {  	_ =	shalt  }
0x48: {  	_ =	shalt  }
0x49: {  	_ =	shalt  }
0x4a: {  	_ =	shalt  }
0x4b: {  	_ =	shalt  }
0x4c: {  	_ =	shalt  }
0x4d: {  	_ =	shalt  }
0x4e: {  	_ =	shalt  }
0x4f: {  	_ =	shalt  }
0x50: {  	_ =	shalt  }
0x51: {  	_ =	shalt  }
0x52: {  	_ =	shalt  }
0x53: {  	_ =	shalt  }
0x54: {  	_ =	shalt  }
0x55: {  	_ =	shalt  }
0x56: {  	_ =	shalt  }
0x57: {  	_ =	shalt  }
0x58: {  	_ =	shalt  }
0x59: {  	_ =	shalt  }
0x5a: {  	_ =	shalt  }
0x5b: {  	_ =	shalt  }
0x5c: {  	_ =	shalt  }
0x5d: {  	_ =	shalt  }
0x5e: {  	_ =	shalt  }
0x5f: {  	_ =	shalt  }
0x60: {  	_ =	shalt  }
0x61: {  	_ =	shalt  }
0x62: {  	_ =	shalt  }
0x63: {  	_ =	shalt  }
0x64: {  	_ =	shalt  }
0x65: {  	_ =	shalt  }
0x66: {  	_ =	shalt  }
0x67: {  	_ =	shalt  }
0x68: {  	_ =	shalt  }
0x69: {  	_ =	shalt  }
0x6a: {  	_ =	shalt  }
0x6b: {  	_ =	shalt  }
0x6c: {  	_ =	shalt  }
0x6d: {  	_ =	shalt  }
0x6e: {  	_ =	shalt  }
0x6f: {  	_ =	shalt  }
0x70: {  	_ =	shalt  }
0x71: {  	_ =	shalt  }
0x72: {  	_ =	shalt  }
0x73: {  	_ =	shalt  }
0x74: {  	_ =	shalt  }
0x75: {  	_ =	shalt  }
0x76: {  	_ =	shalt  }
0x77: {  	_ =	shalt  }
0x78: {  	_ =	shalt  }
0x79: {  	_ =	shalt  }
0x7a: {  	_ =	shalt  }
0x7b: {  	_ =	shalt  }
0x7c: {  	_ =	shalt  }
0x7d: {  	_ =	shalt  }
0x7e: {  	_ =	shalt  }
0x7f: {  	_ =	shalt  }
0x80: {  	_ =	shalt  }
0x81: {  	_ =	shalt  }
0x82: {  	_ =	shalt  }
0x83: {  	_ =	shalt  }
0x84: {  	_ =	shalt  }
0x85: {  	_ =	shalt  }
0x86: {  	_ =	shalt  }
0x87: {  	_ =	shalt  }
.Lfunc_end0:
.L_simem_size_0:
called_computation.1_lowered:
.L_overlay_start_0:
0x88: {  	s2 =	sld [smem:$0x3FD9]  }
0x89: {  	s3 =	sld [smem:$0x3FFE];
	_ =	sdelay $0x1  }
0x8a: {  	s1 =	srdreg.scid  }
0x8b: {  	s0 =	sand.u32 $0x1, s1  }
0x8c: {  	s17 =	sshll.u32 s0, $0xA;
	s2 =	sadd.s32 s3, s2  }
0x8d: {  	s2 =	sadd.s32 s2, s17  }
0x8e: {  	[smem:$0x3FB8] =	sst s2  }
0x8f: {  	_ = 	snop  }
0x90: {  	s18 =	sld [smem:$0x3FD0];
	(tm) =	ssettm $0x1  }
0x91: {  	s19 =	sld [smem:$0x3FFB];
	_ =	sdelay $0x3  }
0x92: {  	_ =	strace s19  }
0x93: {  	s2 =	sld [smem:$0x3FFC];
	_ =	sdelay $0x3  }
0x94: {  	_ =	strace s2  }
0x95: {  	s2 =	sld [smem:$0x3FFD];
	_ =	sdelay $0x3  }
0x96: {  	_ =	strace s2  }
0x97: {  	_ =	strace $0x8FFFFFFF  }
0x98: {  	s20 =	sld [smem:$0x3FDB];
	_ =	sdelay $0x1  }
0x99: {  	s4 =	simm.s32 $_scs_section_size  }
0x9a: {  	s5 =	simm.s32 $_size__tile_overlayer_lowered;
	s6 =	simm.s32 $_tile_overlayer_lowered  }
0x9b: {  	s7 =	simm.s32 $0x1BFF;
	s21 =	sshll.u32 s6, $0x1;
	s4 =	sadd.s32 s4, s20  }
0x9c: {  	s22 =	simm.s32 $0x0;
	s5 =	sshll.u32 s5, $0x1;
	s6 =	sadd.s32 s21, s4  }
0x9d: {  	[timem:s22], [sflag:s7] =	dma.local [hbm:s6], s5  }
0x9e: {  	_ =	swait.ge [sflag:s7], s5  }
0x9f: {  	s5 =	ssub.s32 $0x0, s5;
	[sflag:s7] =	ssyncset.done $0x0  }
0xa0: {  	[sflag:s7] =	ssyncadd.s32 s5;
	_ =	sdelay $0x1  }
0xa1: {  	s23 =	simm.s32 $0x1B8B  }
0xa2: {  	_ =	swait.ge [sflag:s23], $0x1  }
0xa3: {  	[sflag:s23] =	ssyncset.done $0x0  }
0xa4: {  	[sflag:s23] =	ssyncadd.s32 $0xFFFFFFFF  }
0xa5: {  	s5 =	sld [smem:$0x0]  }
0xa6: {  	s6 =	sand.u32 $0xFFFFFFFE, s1  }
0xa7: {  	p0 =	sne.s32 s1, s6  }
0xa8: {  	s6 =	sshll.u32 @p0 s6, $0xE  }
0xa9: {  	s6 =	sadd.s32 @p0 $0x11B8D, s6;
	s7 =	sshll.u32 @p0 s5, $0x11  }
0xaa: {  	s6 =	sor.u32 @p0 s7, s6  }
0xab: {  	[sflag:s6] =	ssyncadd.remote.s32 @p0 $0x1;
	_ =	sdelay $0x1  }
0xac: {  	s6 =	simm.s32 @p0 $0x1B8D  }
0xad: {  	_ =	swait.eq @p0 [sflag:s6], $0x1  }
0xae: {  	[sflag:s6] =	ssyncadd.s32 @p0 $0xFFFFFFFF  }
0xaf: {  	s7 =	sshll.u32 @!p0 s1, $0xE  }
0xb0: {  	s7 =	sor.u32 @!p0 $0x4000, s7;
	s6 =	simm.s32 @!p0 $0x1B8D  }
0xb1: {  	s5 =	sshll.u32 @!p0 s5, $0x11;
	s7 =	sadd.s32 @!p0 $0x11B8D, s7;
	_ =	swait.eq @!p0 [sflag:s6], $0x1  }
0xb2: {  	s5 =	sor.u32 @!p0 s5, s7;
	[sflag:s6] =	ssyncadd.s32 @!p0 $0xFFFFFFFF  }
0xb3: {  	s25 =	simm.s32 $0x1B8E;
	s24 =	sld [smem:$0x3FFE];
	[sflag:s5] =	ssyncadd.remote.s32 @!p0 $0x1  }
0xb4: {  	s26 =	simm.s32 $execute0_lowered;
	[smem:$0x3FD2] =	sst s25  }
0xb5: {  	s6 =	sshll.u32 s26, $0x1;
	_ =	strace $0x80000049;
	[dreg:$0x1] =	wrdreg $0xFFFFFFFF  }
0xb6: {  	s28 =	simm.s32 $_size_execute0_lowered;
	s4 =	sadd.s32 s4, s6;
	[dreg:$0x0] =	wrdreg $0x0  }
0xb7: {  	s6 =	sshll.u32 s28, $0x1;
	[dreg:$0x2] =	wrdreg s4  }
0xb8: {  	[dreg:$0x3] =	wrdreg s6  }
0xb9: {  	[dreg:$0x4] =	wrdreg $0xC0  }
0xba: {  	_ =	task [dreg:s22], $0x5FFFF  }
0xbb: {  	[dreg:$0x1] =	wrdreg $0xFFFFFFFF  }
0xbc: {  	[dreg:$0x0] =	wrdreg $0x60  }
0xbd: {  	[dreg:$0x2] =	wrdreg s24  }
0xbe: {  	[dreg:$0x3] =	wrdreg s18  }
0xbf: {  	[dreg:$0x4] =	wrdreg $0x0  }
0xc0: {  	[dreg:$0x5] =	wrdreg $0xA  }
0xc1: {  	_ =	task.clear_ibuf [dreg:s22], $0x6FFFF;
	_ =	strace $0x90000049  }
0xc2: {  	s29 =	simm.s32 $0xA;
	_ =	strace $0x8000004B  }
0xc3: {  	_ =	swait.ge [sflag:s29], $0x1  }
0xc4: {  	[sflag:s29] =	ssyncadd.s32 $0xFFFFFFFF  }
0xc5: {  	_ =	strace $0x9000004B  }
0xc6: {  	_ =	sfence  }
0xc7: {  	s30 =	sld [smem:$0x0];
	_ =	sdelay $0x2  }
0xc8: {  	s31 =	sshll.u32 s1, $0xD;
	s1 =	sshrl.u32 s1, $0x2  }
0xc9: {  	s4 =	sand.u32 $0x4000, s31;
	s1 =	sadd.s32 s1, s30  }
0xca: {  	s0 =	sor.u32 s4, s0;
	s1 =	sshll.u32 s1, $0x11  }
0xcb: {  	s0 =	sor.u32 s1, s0  }
0xcc: {  	s0 =	sadd.s32 $0x8F2B, s0  }
0xcd: {  	[sflag:s0] =	ssyncadd.remote.s32 $0x1  }
0xce: {  	_ =	sfence.sel $0xFFFF  }
0xcf: {  	[dreg:$0x0] =	wrdreg $0xFFFFFFFF;
	(pc) =	sbr.abs _section_cstart, $3  }
0xd0: {  	[dreg:$0x1] =	wrdreg $0xFFFFFFFF  }
0xd1: {  	_ =	task.clear_ibuf [dreg:s22], $0x2FFFF;
	_ =	strace $0x9FFFFFFF  }
0xd2: {  	(tm) =	ssettm $0x7FFFFFFF  }
0xd3: {  	_ =	shalt  }
tec
execute0_lowered:
.L_overlay_start_1:
0x0: {  	(tag) =	ssettag $0x1  }
0x1: {  	s4 =	rddreg [dreg:$0x0]  }
0x2: {  	s6 =	rddreg [dreg:$0x1]  }
0x3: {  	s1 =	rddreg [dreg:$0x2]  }
0x4: {  	s2 =	srdreg.scid;
	s0 =	rddreg [dreg:$0x3];
	s3 =	simm.s32 $0x0  }
0x5: {  	s10 =	simm.s32 $0x800;
	s11 =	simm.s32 $0x1;
	s12 =	simm.s32 $0x8A20  }
0x6: {  	s5 =	sand.u32 $0x1, s2;
	s2 =	stileid.u32;
	[smem:$0x7FF] =	sst s3  }
0x7: {  	s7 =	ssub.s32 $0x2, s5;
	s14 =	sshll.u32 s2, $0x8;
	_ =	strace $0x8000004A  }
0x8: {  	s13 =	smul.u32 $0xFFF85EE0, s5;
	s31 =	sshll.u32 s5, $0xC;
	s8 =	sshrl.u32 s7, $0x1  }
0x9: {  	s9 =	sadd.s32 s14, s4;
	s15 =	sadd.s32 s6, s31;
	s7 =	ssub.s32 s7, s8  }
0xa: {  	s4 =	sadd.s32 $0x24C00, s9;
	s5 =	sadd.s32 $0x25C00, s9;
	s8 =	simm.s32 $0x2  }
0xb: {  	s9 =	simm.s32 $0x8220;
	v0 =	vmov s13;
	s13 =	simm.s32 $0x9220;
	s14 =	sadd.s32 s14, s15  }
0xc: {  	s15 =	simm.s32 $0x0;
	s6 =	smax.u32 s7, $0x1;
	s7 =	simm.s32 $0x7A20  }
.LBB2_1:
0xd: {  	[tilespmem:s7], [sflag:$0x2] =	stream.linear.gather [hbm4b:s4+s3], $0x800, $0x38;
	[tilespmem:$0x9A20] =	vst v63  }
0xe: {  	_ =	swait.ge [sflag:s8], $0x800  }
0xf: {  	[sflag:s8] =	ssyncset.done $0x0  }
0x10: {  	[sflag:s8] =	ssyncadd.s32 $0xFFFFF800  }
0x11: {  	[tilespmem:s9], [sflag:$0x2] =	stream.linear.gather [hbm4b:s5+s3], $0x800, $0x38;
	[tilespmem:$0x9A20] =	vst v63  }
0x12: {  	_ =	swait.ge [sflag:s8], $0x800  }
0x13: {  	[sflag:s8] =	ssyncset.done $0x0  }
0x14: {  	s16 =	simm.s32 $0x0;
	s17 =	simm.s32 $0x40;
	[sflag:s8] =	ssyncadd.s32 $0xFFFFF800  }
.LBB2_2:
0x15: {  	p0 =	sne.s32 s17, $0x1FC0;
	v1 =	vld [tilespmem:s16+$0x7A20];
	_ =	sdelay $0x2  }
.Ltmp0:
0x16: {  	(pc) =	sbr.rel @p0 .LBB2_2-.Ltmp0, $4  }
0x17: {  	_ = 	snop  }
0x18: {  	v1 =	vadd.s32 v0, v1  }
0x19: {  	v1 =	vmin.u32 v1, $0x7A120  }
0x1a: {  	[tilespmem:s16+$0x7A20] =	vst v1;
	s16 =	sshra.s32 s17, $0x2;
	s17 =	sadd.s32 $0x40, s17  }
0x1b: {  	v1 =	vld [tilespmem:s16+$0x7A20];
	_ =	sdelay $0x4  }
0x1c: {  	v1 =	vadd.s32 v0, v1  }
0x1d: {  	v1 =	vmin.u32 v1, $0x7A120  }
0x1e: {  	[tilespmem:s16+$0x7A20] =	vst v1  }
0x1f: {  	[spmem:s1] =	stream.indirect.scatter [tilespmem:s9], [sflag:$0x1], $0x1, s7, s10, $0xb8;
	[tilespmem:$0x9A20] =	vst v63  }
0x20: {  	_ =	swait.ge [sflag:s11], $0x800  }
0x21: {  	[sflag:s11] =	ssyncset.done $0x0  }
0x22: {  	[sflag:s11] =	ssyncadd.s32 $0xFFFFF800  }
0x23: {  	[bflag:$0x0] =	sbarrier.arrive $0xFFFF  }
0x24: {  	[tilespmem:s12], [sflag:$0x1] =	stream.indirect.gather [spmem:s1], $0x1, s7, s10, $0xb8;
	[tilespmem:$0x9A20] =	vst v63  }
0x25: {  	_ =	swait.ge [sflag:s11], $0x800  }
0x26: {  	[sflag:s11] =	ssyncset.done $0x0  }
0x27: {  	[sflag:s11] =	ssyncadd.s32 $0xFFFFF800  }
0x28: {  	s16 =	simm.s32 $0x0;
	[bflag:$0x0] =	sbarrier.arrive $0xFFFF  }
0x29: {  	v2 =	vld [tilespmem:s16+$0x8220]  }
0x2a: {  	v1 =	vld [tilespmem:s16+$0x7A20]  }
0x2b: {  	v3 =	vld [tilespmem:s16+$0x8A20]  }
0x2c: {  	s17 =	simm.s32 $0x40  }
.LBB2_4:
0x2d: {  	p0 =	sne.s32 s17, $0x1FC0  }
.Ltmp1:
0x2e: {  	s18 =	sshra.s32 s17, $0x2;
	v4 =	vmov v2;
	(pc) =	sbr.rel @p0 .LBB2_4-.Ltmp1, $4  }
0x2f: {  	s17 =	sadd.s32 $0x40, s17;
	v2 =	vld [tilespmem:s18+$0x8220];
	vm0 =	vlt.s32 v1, $0x7A120  }
0x30: {  	vm1 =	vgt.s32 v4, v3;
	v4 =	vnsel vm0, $0x7A120, v1;
	v1 =	vld [tilespmem:s18+$0x7A20]  }
0x31: {  	v3 =	vld [tilespmem:s18+$0x8A20];
	v4 =	vnsel vm1, $0x7A120, v4  }
0x32: {  	[tilespmem:s16+$0x9220] =	vst v4;
	s16 =	smov.u32 s18  }
0x33: {  	_ =	sdelay $0x1  }
0x34: {  	vm0 =	vlt.s32 v1, $0x7A120  }
0x35: {  	vm1 =	vgt.s32 v2, v3;
	v1 =	vnsel vm0, $0x7A120, v1  }
0x36: {  	v1 =	vnsel vm1, $0x7A120, v1  }
0x37: {  	[tilespmem:s16+$0x9220] =	vst v1  }
0x38: {  	[spmem:s1] =	stream.indirect.scatter [tilespmem:s9], [sflag:$0x1], $0x1, s13, s10, $0xb8;
	[tilespmem:$0x9A20] =	vst v63  }
0x39: {  	_ =	swait.ge [sflag:s11], $0x800  }
0x3a: {  	[sflag:s11] =	ssyncset.done $0x0  }
0x3b: {  	[sflag:s11] =	ssyncadd.s32 $0xFFFFF800  }
0x3c: {  	[bflag:$0x0] =	sbarrier.arrive $0xFFFF  }
0x3d: {  	[tilespmem:s12], [sflag:$0x1] =	stream.indirect.gather [spmem:s1], $0x1, s7, s10, $0xb8;
	[tilespmem:$0x9A20] =	vst v63  }
0x3e: {  	_ =	swait.ge [sflag:s11], $0x800  }
0x3f: {  	[sflag:s11] =	ssyncset.done $0x0  }
0x40: {  	[sflag:s11] =	ssyncadd.s32 $0xFFFFF800  }
0x41: {  	s16 =	simm.s32 $0x0;
	[bflag:$0x0] =	sbarrier.arrive $0xFFFF  }
0x42: {  	v2 =	vld [tilespmem:s16+$0x8220]  }
0x43: {  	v1 =	vld [tilespmem:s16+$0x7A20]  }
0x44: {  	v3 =	vld [tilespmem:s16+$0x8A20]  }
0x45: {  	s17 =	simm.s32 $0x40  }
.LBB2_6:
0x46: {  	p0 =	sne.s32 s17, $0x1FC0  }
.Ltmp2:
0x47: {  	s18 =	sshra.s32 s17, $0x2;
	v4 =	vmov v2;
	(pc) =	sbr.rel @p0 .LBB2_6-.Ltmp2, $4  }
0x48: {  	s17 =	sadd.s32 $0x40, s17;
	v2 =	vld [tilespmem:s18+$0x8220];
	vm0 =	vlt.s32 v1, $0x7A120  }
0x49: {  	vm1 =	vgt.s32 v4, v3;
	v4 =	vnsel vm0, $0x7A120, v1;
	v1 =	vld [tilespmem:s18+$0x7A20]  }
0x4a: {  	v3 =	vld [tilespmem:s18+$0x8A20];
	v4 =	vnsel vm1, $0x7A120, v4  }
0x4b: {  	[tilespmem:s16+$0x9220] =	vst v4;
	s16 =	smov.u32 s18  }
0x4c: {  	_ =	sdelay $0x1  }
0x4d: {  	vm0 =	vlt.s32 v1, $0x7A120  }
0x4e: {  	vm1 =	vgt.s32 v2, v3;
	v1 =	vnsel vm0, $0x7A120, v1  }
0x4f: {  	v1 =	vnsel vm1, $0x7A120, v1  }
0x50: {  	[tilespmem:s16+$0x9220] =	vst v1  }
0x51: {  	[spmem:s1] =	stream.indirect.scatter [tilespmem:s9], [sflag:$0x1], $0x1, s13, s10, $0xb8;
	[tilespmem:$0x9A20] =	vst v63  }
0x52: {  	_ =	swait.ge [sflag:s11], $0x800  }
0x53: {  	[sflag:s11] =	ssyncset.done $0x0  }
0x54: {  	[sflag:s11] =	ssyncadd.s32 $0xFFFFF800  }
0x55: {  	[bflag:$0x0] =	sbarrier.arrive $0xFFFF  }
0x56: {  	[tilespmem:s12], [sflag:$0x1] =	stream.indirect.gather [spmem:s1], $0x1, s7, s10, $0xb8;
	[tilespmem:$0x9A20] =	vst v63  }
0x57: {  	_ =	swait.ge [sflag:s11], $0x800  }
0x58: {  	[sflag:s11] =	ssyncset.done $0x0  }
0x59: {  	[sflag:s11] =	ssyncadd.s32 $0xFFFFF800  }
0x5a: {  	s16 =	simm.s32 $0x0;
	[bflag:$0x0] =	sbarrier.arrive $0xFFFF  }
0x5b: {  	v2 =	vld [tilespmem:s16+$0x8220]  }
0x5c: {  	v1 =	vld [tilespmem:s16+$0x7A20]  }
0x5d: {  	v3 =	vld [tilespmem:s16+$0x8A20]  }
0x5e: {  	s17 =	simm.s32 $0x40  }
.LBB2_8:
0x5f: {  	p0 =	sne.s32 s17, $0x1FC0  }
.Ltmp3:
0x60: {  	s18 =	sshra.s32 s17, $0x2;
	v4 =	vmov v2;
	(pc) =	sbr.rel @p0 .LBB2_8-.Ltmp3, $4  }
0x61: {  	s17 =	sadd.s32 $0x40, s17;
	v2 =	vld [tilespmem:s18+$0x8220];
	vm0 =	vlt.s32 v1, $0x7A120  }
0x62: {  	vm1 =	vgt.s32 v4, v3;
	v4 =	vnsel vm0, $0x7A120, v1;
	v1 =	vld [tilespmem:s18+$0x7A20]  }
0x63: {  	v3 =	vld [tilespmem:s18+$0x8A20];
	v4 =	vnsel vm1, $0x7A120, v4  }
0x64: {  	[tilespmem:s16+$0x9220] =	vst v4;
	s16 =	smov.u32 s18  }
0x65: {  	_ =	sdelay $0x1  }
0x66: {  	vm0 =	vlt.s32 v1, $0x7A120  }
0x67: {  	vm1 =	vgt.s32 v2, v3;
	v1 =	vnsel vm0, $0x7A120, v1  }
0x68: {  	v1 =	vnsel vm1, $0x7A120, v1  }
0x69: {  	[tilespmem:s16+$0x9220] =	vst v1  }
0x6a: {  	[spmem:s1] =	stream.indirect.scatter [tilespmem:s9], [sflag:$0x1], $0x1, s13, s10, $0xb8;
	[tilespmem:$0x9A20] =	vst v63  }
0x6b: {  	_ =	swait.ge [sflag:s11], $0x800  }
0x6c: {  	[sflag:s11] =	ssyncset.done $0x0  }
0x6d: {  	[sflag:s11] =	ssyncadd.s32 $0xFFFFF800  }
0x6e: {  	[bflag:$0x0] =	sbarrier.arrive $0xFFFF  }
0x6f: {  	[tilespmem:s12], [sflag:$0x1] =	stream.indirect.gather [spmem:s1], $0x1, s7, s10, $0xb8;
	[tilespmem:$0x9A20] =	vst v63  }
0x70: {  	_ =	swait.ge [sflag:s11], $0x800  }
0x71: {  	[sflag:s11] =	ssyncset.done $0x0  }
0x72: {  	s16 =	simm.s32 $0x0;
	[sflag:s11] =	ssyncadd.s32 $0xFFFFF800  }
0x73: {  	v1 =	vld [tilespmem:s16+$0x7A20]  }
0x74: {  	v2 =	vld [tilespmem:s16+$0x8A20];
	_ =	sdelay $0x3  }
0x75: {  	vm15 =	vlt.s32 v1, $0x7A120  }
0x76: {  	s18 =	simm.s32 $0x10;
	s17 =	simm.s32 $0x80;
	v1 =	vnsel vm15, $0x0, v2  }
.LBB2_10:
0x77: {  	p0 =	sne.s32 s17, $0x1FC0;
	v2 =	vld [tilespmem:s18+$0x7A20];
	[tilespmem:s16+$0x8A20] =	vst v1;
	s16 =	smov.u32 s18  }
0x78: {  	v1 =	vld [tilespmem:s16+$0x8A20]  }
.Ltmp4:
0x79: {  	(pc) =	sbr.rel @p0 .LBB2_10-.Ltmp4, $3  }
0x7a: {  	_ =	sdelay $0x1  }
0x7b: {  	vm0 =	vlt.s32 v2, $0x7A120  }
0x7c: {  	s18 =	sshra.s32 s17, $0x2;
	s17 =	sadd.s32 $0x40, s17;
	v1 =	vnsel vm0, $0x0, v1  }
0x7d: {  	v2 =	vld [tilespmem:s18+$0x7A20];
	[tilespmem:s16+$0x8A20] =	vst v1  }
0x7e: {  	v1 =	vld [tilespmem:s18+$0x8A20];
	_ =	sdelay $0x3  }
0x7f: {  	s15 =	sadd.s32 $0x1, s15;
	vm0 =	vlt.s32 v2, $0x7A120  }
0x80: {  	p0 =	sne.s32 s15, s6;
	v1 =	vnsel vm0, $0x0, v1  }
.Ltmp5:
0x81: {  	[tilespmem:s18+$0x8A20] =	vst v1;
	(pc) =	sbr.rel @p0 .LBB2_1-.Ltmp5, $4  }
0x82: {  	[hbm4b:s14+s3] =	stream.linear.scatter [tilespmem:s12], [sflag:$0x2], $0x800, $0x38;
	[tilespmem:$0x9A20] =	vst v63  }
0x83: {  	_ =	swait.ge [sflag:s8], $0x800  }
0x84: {  	[sflag:s8] =	ssyncset.done $0x0  }
0x85: {  	[sflag:s8] =	ssyncadd.s32 $0xFFFFF800  }
0x86: {  	_ =	sfence.sel $0x180000  }
0x87: {  	[bflag:$0x0] =	sbarrier.arrive $0xFFFF  }
0x88: {  	p0 =	sne.s32 s2, $0x0;
	_ =	strace $0x9000004A  }
0x89: {  	s0 =	sadd.s32 @!p0 $0x100000, s0;
	[bflag:$0x2] =	sbarrier.arrive $0xFFFF  }
0x8a: {  	[sflag:s0] =	ssyncadd.tile.s32 @!p0 $0x1;
	_ =	shalt  }
.Lfunc_end2:
_tile_overlayer_lowered:
.L_overlay_start_2:
0x8b: {  	(tag) =	ssettag $0x2  }
0x8c: {  	s0 =	rddreg [dreg:$0x0];
	s2 =	stileid.u32  }
0x8d: {  	s1 =	rddreg [dreg:$0x1];
	p0 =	sne.s32 s2, $0x0  }
0x8e: {  	s3 =	rddreg [dreg:$0x2];
	[bflag:$0x3] =	sbarrier.arrive $0xFFFF;
	s2 =	simm.s32 @!p0 $0x1C02  }
0x8f: {  	[timem:s3], [sflag:s2] =	dma.local @!p0 [hbm:s0], s1  }
0x90: {  	s0 =	simm.s32 @!p0 $0x2  }
0x91: {  	_ =	swait.ge @!p0 [sflag:s0], s1  }
0x92: {  	s1 =	ssub.s32 @!p0 $0x0, s1;
	[sflag:s0] =	ssyncset.done @!p0 $0x0  }
0x93: {  	[sflag:s0] =	ssyncadd.s32 @!p0 s1  }
0x94: {  	[bflag:$0x3] =	sbarrier.arrive $0xFFFF  }
0x95: {  	_ =	shalt  }

// kernel: kernel.13.cloned.1.call-start
scs
__scs_entry_jumppad:
0x0: {  	(pc) =	sbr.rel $0x88, $3  }
0x1: {  	(tag) =	ssettag $0x0;
	lr =	simm.s32 $0x1  }
0x2: {  	[smem:$0x3F91] =	sst lr;
	_ =	strace $0xD0000000  }
0x3: {  	_ = 	snop  }
0x4: {  	_ = 	snop  }
0x5: {  	_ = 	snop  }
0x6: {  	_ = 	snop  }
0x7: {  	_ = 	snop  }
__scs_overlays_trampoline_lowered:
0x8: {  	[smem:$0x3FA0] =	sst s0  }
0x9: {  	[smem:$0x3FA1] =	sst s1  }
0xa: {  	[smem:$0x3FA2] =	sst s2  }
0xb: {  	[smem:$0x3FA3] =	sst s3  }
0xc: {  	[smem:$0x3FA4] =	sst s4  }
0xd: {  	[smem:$0x3FA5] =	sst s5  }
0xe: {  	[smem:$0x3FA6] =	sst s6  }
0xf: {  	[smem:$0x3FA7] =	sst s7  }
0x10: {  	[smem:$0x3FA8] =	sst s8  }
0x11: {  	[smem:$0x3FA9] =	sst s9;
	s0 =	simm.s32 @!p0 $0x0  }
0x12: {  	s1 =	sld [smem:$0x3F8F];
	s0 =	simm.s32 @p0 $0x1  }
0x13: {  	[smem:$0x3FAA] =	sst s0;
	s0 =	simm.s32 @!p1 $0x0  }
0x14: {  	s2 =	sld [smem:$0x3F8E];
	s0 =	simm.s32 @p1 $0x1  }
0x15: {  	[smem:$0x3FAB] =	sst s0;
	s0 =	simm.s32 @!p2 $0x0  }
0x16: {  	s3 =	sld [smem:$0x3FDB];
	s0 =	simm.s32 @p2 $0x1  }
0x17: {  	s4 =	simm.s32 $0x1BF5;
	[smem:$0x3FAD] =	sst s0  }
0x18: {  	s0 =	sld [smem:$0x3F90];
	_ =	swait.ge [sflag:s4], $0x0  }
0x19: {  	s7 =	sld [smem:$0x3F91]  }
0x1a: {  	s8 =	sadd.s32 $0xFFFFE003, lr  }
0x1b: {  	s9 =	sadd.s32 $0xFFFFFEF7, lr;
	s5 =	simm.s32 $0xFFFFFFFF;
	p2 =	slt.u32 s8, $0xFFFFF086  }
0x1c: {  	p1 =	slt.u32 s9, $0xF7A;
	s5 =	simm.s32 @!p2 $0x0  }
0x1d: {  	s5 =	simm.s32 @p1 $0x1;
	p0 =	seq.s32 s7, s2  }
0x1e: {  	s7 =	smul.u32 @!p0 $0xF7A, s2;
	p2 =	seq.s32 @!p0 s5, $0x0  }
0x1f: {  	s9 =	smul.u32 $0xF7A, s1;
	s8 =	simm.s32 @!p0 $0x1BF5;
	p2 =	por !p2, p0  }
0x20: {  	[sflag:s8] =	ssyncset.s32 @!p0 $0xFFFFF086;
	s6 =	sadd.s32 @!p0 s3, s7;
	s7 =	simm.s32 @!p0 $0x108  }
0x21: {  	s3 =	sadd.s32 s3, s9;
	s6 =	sadd.s32 @!p0 $0x88, s6;
	s7 =	simm.s32 @p2 $0x1082  }
0x22: {  	[simem:s7], [sflag:s8] =	dma.local @!p0 [hbm:s6], $0xF7A  }
0x23: {  	s9 =	sor.u32 $0xD0000000, s2;
	s6 =	simm.s32 $0x108;
	_ =	swait.ge @!p0 [sflag:s8], $0x0  }
0x24: {  	s3 =	sadd.s32 $0x88, s3;
	s6 =	simm.s32 @!p1 $0x1082;
	[sflag:s4] =	ssyncset.s32 $0xFFFFF086  }
0x25: {  	[simem:s6], [sflag:s4] =	dma.local [hbm:s3], $0xF7A  }
0x26: {  	[smem:$0x3F91] =	sst s1;
	(tag) =	ssettag s2;
	_ =	strace s9  }
0x27: {  	s1 =	sld [smem:$0x3FA1]  }
0x28: {  	s2 =	sld [smem:$0x3FA2]  }
0x29: {  	s4 =	sld [smem:$0x3FA4]  }
0x2a: {  	p0 =	seq.s32 s5, $0x0;
	s5 =	sld [smem:$0x3FA5]  }
0x2b: {  	s6 =	sld [smem:$0x3FA6]  }
0x2c: {  	s7 =	sld [smem:$0x3FA7]  }
0x2d: {  	s3 =	simm.s32 $0x108;
	s8 =	sld [smem:$0x3FA8]  }
0x2e: {  	s3 =	simm.s32 @!p0 $0x1082;
	s9 =	sld [smem:$0x3FA9]  }
0x2f: {  	lr =	sadd.s32 s0, s3;
	s0 =	sld [smem:$0x3FA0]  }
0x30: {  	s3 =	sld [smem:$0x3FA3]  }
0x31: {  	[smem:$0x3FAC] =	sst s10  }
0x32: {  	s10 =	sld [smem:$0x3FAA];
	_ =	sdelay $0x3  }
0x33: {  	p0 =	seq.s32 s10, $0x1;
	s10 =	sld [smem:$0x3FAC];
	_ =	sdelay $0x3  }
0x34: {  	[smem:$0x3FAC] =	sst s10  }
0x35: {  	s10 =	sld [smem:$0x3FAB];
	_ =	sdelay $0x3  }
0x36: {  	p1 =	seq.s32 s10, $0x1;
	s10 =	sld [smem:$0x3FAC];
	_ =	sdelay $0x3  }
0x37: {  	[smem:$0x3FAC] =	sst s10  }
0x38: {  	s10 =	sld [smem:$0x3FAD]  }
0x39: {  	_ = 	snop;
	(pc) =	sbr.ind lr, $3  }
0x3a: {  	_ = 	snop  }
0x3b: {  	_ = 	snop  }
0x3c: {  	p2 =	seq.s32 s10, $0x1;
	s10 =	sld [smem:$0x3FAC]  }
0x3d: {  	_ =	shalt  }
0x3e: {  	_ =	shalt  }
0x3f: {  	_ =	shalt  }
0x40: {  	_ =	shalt  }
0x41: {  	_ =	shalt  }
0x42: {  	_ =	shalt  }
0x43: {  	_ =	shalt  }
0x44: {  	_ =	shalt  }
0x45: {  	_ =	shalt  }
0x46: {  	_ =	shalt  }
0x47: {  	_ =	shalt  }
0x48: {  	_ =	shalt  }
0x49: {  	_ =	shalt  }
0x4a: {  	_ =	shalt  }
0x4b: {  	_ =	shalt  }
0x4c: {  	_ =	shalt  }
0x4d: {  	_ =	shalt  }
0x4e: {  	_ =	shalt  }
0x4f: {  	_ =	shalt  }
0x50: {  	_ =	shalt  }
0x51: {  	_ =	shalt  }
0x52: {  	_ =	shalt  }
0x53: {  	_ =	shalt  }
0x54: {  	_ =	shalt  }
0x55: {  	_ =	shalt  }
0x56: {  	_ =	shalt  }
0x57: {  	_ =	shalt  }
0x58: {  	_ =	shalt  }
0x59: {  	_ =	shalt  }
0x5a: {  	_ =	shalt  }
0x5b: {  	_ =	shalt  }
0x5c: {  	_ =	shalt  }
0x5d: {  	_ =	shalt  }
0x5e: {  	_ =	shalt  }
0x5f: {  	_ =	shalt  }
0x60: {  	_ =	shalt  }
0x61: {  	_ =	shalt  }
0x62: {  	_ =	shalt  }
0x63: {  	_ =	shalt  }
0x64: {  	_ =	shalt  }
0x65: {  	_ =	shalt  }
0x66: {  	_ =	shalt  }
0x67: {  	_ =	shalt  }
0x68: {  	_ =	shalt  }
0x69: {  	_ =	shalt  }
0x6a: {  	_ =	shalt  }
0x6b: {  	_ =	shalt  }
0x6c: {  	_ =	shalt  }
0x6d: {  	_ =	shalt  }
0x6e: {  	_ =	shalt  }
0x6f: {  	_ =	shalt  }
0x70: {  	_ =	shalt  }
0x71: {  	_ =	shalt  }
0x72: {  	_ =	shalt  }
0x73: {  	_ =	shalt  }
0x74: {  	_ =	shalt  }
0x75: {  	_ =	shalt  }
0x76: {  	_ =	shalt  }
0x77: {  	_ =	shalt  }
0x78: {  	_ =	shalt  }
0x79: {  	_ =	shalt  }
0x7a: {  	_ =	shalt  }
0x7b: {  	_ =	shalt  }
0x7c: {  	_ =	shalt  }
0x7d: {  	_ =	shalt  }
0x7e: {  	_ =	shalt  }
0x7f: {  	_ =	shalt  }
0x80: {  	_ =	shalt  }
0x81: {  	_ =	shalt  }
0x82: {  	_ =	shalt  }
0x83: {  	_ =	shalt  }
0x84: {  	_ =	shalt  }
0x85: {  	_ =	shalt  }
0x86: {  	_ =	shalt  }
0x87: {  	_ =	shalt  }
.Lfunc_end0:
.L_simem_size_0:
called_computation.2_lowered:
.L_overlay_start_0:
0x88: {  	s2 =	sld [smem:$0x3FD9]  }
0x89: {  	s3 =	sld [smem:$0x3FFE];
	_ =	sdelay $0x1  }
0x8a: {  	s1 =	srdreg.scid  }
0x8b: {  	s0 =	sand.u32 $0x1, s1  }
0x8c: {  	s17 =	sshll.u32 s0, $0xA;
	s2 =	sadd.s32 s3, s2  }
0x8d: {  	s2 =	sadd.s32 s2, s17  }
0x8e: {  	[smem:$0x3FB8] =	sst s2  }
0x8f: {  	_ = 	snop  }
0x90: {  	s2 =	sld [smem:$0x3FD0];
	(tm) =	ssettm $0x1  }
0x91: {  	s18 =	sld [smem:$0x3FFB];
	_ =	sdelay $0x3  }
0x92: {  	_ =	strace s18  }
0x93: {  	s3 =	sld [smem:$0x3FFC];
	_ =	sdelay $0x3  }
0x94: {  	_ =	strace s3  }
0x95: {  	s3 =	sld [smem:$0x3FFD];
	_ =	sdelay $0x3  }
0x96: {  	_ =	strace s3  }
0x97: {  	_ =	strace $0x8FFFFFFF  }
0x98: {  	s19 =	sld [smem:$0x3FDB];
	_ =	sdelay $0x1  }
0x99: {  	s4 =	simm.s32 $_scs_section_size  }
0x9a: {  	s5 =	simm.s32 $_size__tile_overlayer_lowered;
	s6 =	simm.s32 $_tile_overlayer_lowered  }
0x9b: {  	s22 =	simm.s32 $0x1BFF;
	s21 =	sshll.u32 s6, $0x1;
	s3 =	sadd.s32 s4, s19  }
0x9c: {  	s7 =	simm.s32 $0x0;
	s20 =	sshll.u32 s5, $0x1;
	s5 =	sadd.s32 s21, s3  }
0x9d: {  	[timem:s7], [sflag:s22] =	dma.local [hbm:s5], s20  }
0x9e: {  	_ =	swait.ge [sflag:s22], s20  }
0x9f: {  	s4 =	ssub.s32 $0x0, s20;
	[sflag:s22] =	ssyncset.done $0x0  }
0xa0: {  	[sflag:s22] =	ssyncadd.s32 s4;
	_ =	sdelay $0x1  }
0xa1: {  	s23 =	simm.s32 $0x1B8B  }
0xa2: {  	_ =	swait.ge [sflag:s23], $0x1  }
0xa3: {  	[sflag:s23] =	ssyncset.done $0x0  }
0xa4: {  	s25 =	simm.s32 $0x1B8E;
	s24 =	sld [smem:$0x3FFE];
	[sflag:s23] =	ssyncadd.s32 $0xFFFFFFFF  }
0xa5: {  	s26 =	simm.s32 $execute0_lowered;
	[smem:$0x3FD2] =	sst s25  }
0xa6: {  	s5 =	sshll.u32 s26, $0x1;
	_ =	strace $0x8000004C;
	[dreg:$0x1] =	wrdreg $0xFFFFFFFF  }
0xa7: {  	s28 =	simm.s32 $_size_execute0_lowered;
	s3 =	sadd.s32 s3, s5;
	[dreg:$0x0] =	wrdreg $0x0  }
0xa8: {  	s5 =	sshll.u32 s28, $0x1;
	[dreg:$0x2] =	wrdreg s3  }
0xa9: {  	[dreg:$0x3] =	wrdreg s5  }
0xaa: {  	[dreg:$0x4] =	wrdreg $0xC0  }
0xab: {  	_ =	task [dreg:s7], $0x5FFFF  }
0xac: {  	[dreg:$0x1] =	wrdreg $0xFFFFFFFF  }
0xad: {  	[dreg:$0x0] =	wrdreg $0x60  }
0xae: {  	[dreg:$0x2] =	wrdreg s24  }
0xaf: {  	[dreg:$0x3] =	wrdreg s2  }
0xb0: {  	[dreg:$0x4] =	wrdreg $0x9  }
0xb1: {  	_ =	task.clear_ibuf [dreg:s7], $0x5FFFF;
	_ =	strace $0x9000004C  }
0xb2: {  	s29 =	simm.s32 $0x9;
	_ =	strace $0x8000004E  }
0xb3: {  	_ =	swait.ge [sflag:s29], $0x1  }
0xb4: {  	[sflag:s29] =	ssyncadd.s32 $0xFFFFFFFF  }
0xb5: {  	_ =	strace $0x9000004E  }
0xb6: {  	_ =	sfence  }
0xb7: {  	s30 =	sld [smem:$0x0];
	_ =	sdelay $0x2  }
0xb8: {  	s31 =	sshll.u32 s1, $0xD;
	s1 =	sshrl.u32 s1, $0x2  }
0xb9: {  	s3 =	sand.u32 $0x4000, s31;
	s1 =	sadd.s32 s1, s30  }
0xba: {  	s0 =	sor.u32 s3, s0;
	s1 =	sshll.u32 s1, $0x11  }
0xbb: {  	s0 =	sor.u32 s1, s0  }
0xbc: {  	s0 =	sadd.s32 $0x8F2B, s0  }
0xbd: {  	[sflag:s0] =	ssyncadd.remote.s32 $0x1  }
0xbe: {  	_ =	sfence.sel $0xFFFF  }
0xbf: {  	[dreg:$0x0] =	wrdreg $0xFFFFFFFF;
	(pc) =	sbr.abs _section_cstart, $3  }
0xc0: {  	[dreg:$0x1] =	wrdreg $0xFFFFFFFF  }
0xc1: {  	_ =	task.clear_ibuf [dreg:s7], $0x2FFFF;
	_ =	strace $0x9FFFFFFF  }
0xc2: {  	(tm) =	ssettm $0x7FFFFFFF  }
0xc3: {  	_ =	shalt  }
tec
execute0_lowered:
.L_overlay_start_1:
0x0: {  	(tag) =	ssettag $0x1  }
0x1: {  	s22 =	rddreg [dreg:$0x0]  }
0x2: {  	s1 =	srdreg.scid;
	s0 =	stileid.u32  }
0x3: {  	s3 =	rddreg [dreg:$0x1];
	s23 =	sand.u32 $0x1, s1;
	s4 =	sshll.u32 s0, $0x1  }
0x4: {  	s2 =	simm.s32 $0x0;
	s1 =	rddreg [dreg:$0x2];
	s24 =	sor.u32 s23, s4  }
0x5: {  	[smem:$0x7FF] =	sst s2;
	s4 =	sshll.u32 s24, $0x7  }
0x6: {  	_ =	strace $0x8000004D;
	s4 =	sadd.s32 s3, s4;
	s3 =	simm.s32 $0x2  }
0x7: {  	[tilespmem:s2], [sflag:$0x2] =	stream.linear.gather [hbm4b:s4+s2], $0x400, $0x38;
	[tilespmem:$0x8400] =	vst v63  }
0x8: {  	_ =	swait.ge [sflag:s3], $0x400  }
0x9: {  	s6 =	simm.s32 $0x80;
	[sflag:s3] =	ssyncset.done $0x0  }
0xa: {  	s7 =	simm.s32 $0x400;
	s5 =	sadd.s32 $0x3C00, s22;
	[sflag:s3] =	ssyncadd.s32 $0xFFFFFC00  }
0xb: {  	[tilespmem:s7], [sflag:$0x1] =	stream.indirect.gather [hbm4b:s5+s6], $0x20, s2, s6, $0xb8;
	[tilespmem:$0x8400] =	vst v63  }
0xc: {  	s8 =	simm.s32 $0x1400  }
0xd: {  	[tilespmem:s8], [sflag:$0x1] =	stream.indirect.gather [hbm4b:s5+s6], $0x20, s6, s6, $0xb8;
	[tilespmem:$0x8400] =	vst v63  }
0xe: {  	s9 =	simm.s32 $0x100;
	s10 =	simm.s32 $0x2400  }
0xf: {  	[tilespmem:s10], [sflag:$0x1] =	stream.indirect.gather [hbm4b:s5+s6], $0x20, s9, s6, $0xb8;
	[tilespmem:$0x8400] =	vst v63  }
0x10: {  	s11 =	simm.s32 $0x180;
	s12 =	simm.s32 $0x3400  }
0x11: {  	[tilespmem:s12], [sflag:$0x1] =	stream.indirect.gather [hbm4b:s5+s6], $0x20, s11, s6, $0xb8;
	[tilespmem:$0x8400] =	vst v63  }
0x12: {  	s13 =	simm.s32 $0x200;
	s14 =	simm.s32 $0x4400  }
0x13: {  	[tilespmem:s14], [sflag:$0x1] =	stream.indirect.gather [hbm4b:s5+s6], $0x20, s13, s6, $0xb8;
	[tilespmem:$0x8400] =	vst v63  }
0x14: {  	s15 =	simm.s32 $0x280;
	s16 =	simm.s32 $0x5400  }
0x15: {  	[tilespmem:s16], [sflag:$0x1] =	stream.indirect.gather [hbm4b:s5+s6], $0x20, s15, s6, $0xb8;
	[tilespmem:$0x8400] =	vst v63  }
0x16: {  	s17 =	simm.s32 $0x300;
	s18 =	simm.s32 $0x6400  }
0x17: {  	[tilespmem:s18], [sflag:$0x1] =	stream.indirect.gather [hbm4b:s5+s6], $0x20, s17, s6, $0xb8;
	[tilespmem:$0x8400] =	vst v63  }
0x18: {  	s19 =	simm.s32 $0x380;
	s20 =	simm.s32 $0x7400;
	s21 =	simm.s32 $0x1  }
0x19: {  	[tilespmem:s20], [sflag:$0x1] =	stream.indirect.gather [hbm4b:s5+s6], $0x20, s19, s6, $0xb8;
	[tilespmem:$0x8400] =	vst v63  }
0x1a: {  	_ =	swait.ge [sflag:s21], $0x1000  }
0x1b: {  	[sflag:s21] =	ssyncset.done $0x0  }
0x1c: {  	[sflag:s21] =	ssyncadd.s32 $0xFFFFF000  }
0x1d: {  	_ =	swait.ge [sflag:s21], $0x1000  }
0x1e: {  	[sflag:s21] =	ssyncset.done $0x0  }
0x1f: {  	[sflag:s21] =	ssyncadd.s32 $0xFFFFF000  }
0x20: {  	_ =	swait.ge [sflag:s21], $0x1000  }
0x21: {  	[sflag:s21] =	ssyncset.done $0x0  }
0x22: {  	[sflag:s21] =	ssyncadd.s32 $0xFFFFF000  }
0x23: {  	_ =	swait.ge [sflag:s21], $0x1000  }
0x24: {  	[sflag:s21] =	ssyncset.done $0x0  }
0x25: {  	[sflag:s21] =	ssyncadd.s32 $0xFFFFF000  }
0x26: {  	_ =	swait.ge [sflag:s21], $0x1000  }
0x27: {  	[sflag:s21] =	ssyncset.done $0x0  }
0x28: {  	[sflag:s21] =	ssyncadd.s32 $0xFFFFF000  }
0x29: {  	_ =	swait.ge [sflag:s21], $0x1000  }
0x2a: {  	[sflag:s21] =	ssyncset.done $0x0  }
0x2b: {  	s23 =	ssub.s32 $0x2, s23;
	[sflag:s21] =	ssyncadd.s32 $0xFFFFF000  }
0x2c: {  	s25 =	sshrl.u32 s23, $0x1;
	_ =	swait.ge [sflag:s21], $0x1000  }
0x2d: {  	s23 =	ssub.s32 s23, s25;
	[sflag:s21] =	ssyncset.done $0x0  }
0x2e: {  	s23 =	smax.u32 s23, $0x1;
	[sflag:s21] =	ssyncadd.s32 $0xFFFFF000  }
0x2f: {  	s24 =	sshll.u32 s24, $0xC;
	p0 =	sne.s32 s23, $0x1;
	_ =	swait.ge [sflag:s21], $0x1000  }
.Ltmp0:
0x30: {  	s22 =	sadd.s32 s24, s22;
	[sflag:s21] =	ssyncset.done $0x0;
	(pc) =	sbr.rel @!p0 .LBB2_2-.Ltmp0, $4  }
0x31: {  	s22 =	sadd.s32 $0x23C00, s22;
	[sflag:s21] =	ssyncadd.s32 $0xFFFFF000  }
0x32: {  	[hbm4b:s22+s2] =	stream.linear.scatter [tilespmem:s7], [sflag:$0x2], $0x8000, $0x38;
	[tilespmem:$0x8400] =	vst v63  }
0x33: {  	_ =	swait.ge [sflag:s3], $0x8000  }
0x34: {  	s23 =	sadd.s32 $0xFFFFFFFF, s23;
	[sflag:s3] =	ssyncset.done $0x0  }
.LBB2_1:
0x35: {  	p0 =	sne.s32 s23, $0x1;
	s23 =	sadd.s32 $0xFFFFFFFF, s23;
	[sflag:s3] =	ssyncadd.s32 $0xFFFF8000  }
0x36: {  	[tilespmem:s2], [sflag:$0x2] =	stream.linear.gather [hbm4b:s4+s2], $0x400, $0x38;
	[tilespmem:$0x8400] =	vst v63  }
0x37: {  	_ =	swait.ge [sflag:s3], $0x400  }
0x38: {  	[sflag:s3] =	ssyncset.done $0x0  }
0x39: {  	[sflag:s3] =	ssyncadd.s32 $0xFFFFFC00  }
0x3a: {  	[tilespmem:s7], [sflag:$0x1] =	stream.indirect.gather [hbm4b:s5+s6], $0x20, s2, s6, $0xb8;
	[tilespmem:$0x8400] =	vst v63  }
0x3b: {  	_ = 	snop  }
0x3c: {  	[tilespmem:s8], [sflag:$0x1] =	stream.indirect.gather [hbm4b:s5+s6], $0x20, s6, s6, $0xb8;
	[tilespmem:$0x8400] =	vst v63  }
0x3d: {  	_ = 	snop  }
0x3e: {  	[tilespmem:s10], [sflag:$0x1] =	stream.indirect.gather [hbm4b:s5+s6], $0x20, s9, s6, $0xb8;
	[tilespmem:$0x8400] =	vst v63  }
0x3f: {  	_ = 	snop  }
0x40: {  	[tilespmem:s12], [sflag:$0x1] =	stream.indirect.gather [hbm4b:s5+s6], $0x20, s11, s6, $0xb8;
	[tilespmem:$0x8400] =	vst v63  }
0x41: {  	_ = 	snop  }
0x42: {  	[tilespmem:s14], [sflag:$0x1] =	stream.indirect.gather [hbm4b:s5+s6], $0x20, s13, s6, $0xb8;
	[tilespmem:$0x8400] =	vst v63  }
0x43: {  	_ = 	snop  }
0x44: {  	[tilespmem:s16], [sflag:$0x1] =	stream.indirect.gather [hbm4b:s5+s6], $0x20, s15, s6, $0xb8;
	[tilespmem:$0x8400] =	vst v63  }
0x45: {  	_ = 	snop  }
0x46: {  	[tilespmem:s18], [sflag:$0x1] =	stream.indirect.gather [hbm4b:s5+s6], $0x20, s17, s6, $0xb8;
	[tilespmem:$0x8400] =	vst v63  }
0x47: {  	_ = 	snop  }
0x48: {  	[tilespmem:s20], [sflag:$0x1] =	stream.indirect.gather [hbm4b:s5+s6], $0x20, s19, s6, $0xb8;
	[tilespmem:$0x8400] =	vst v63  }
0x49: {  	_ =	swait.ge [sflag:s21], $0x1000  }
0x4a: {  	[sflag:s21] =	ssyncset.done $0x0  }
0x4b: {  	[sflag:s21] =	ssyncadd.s32 $0xFFFFF000  }
0x4c: {  	_ =	swait.ge [sflag:s21], $0x1000  }
0x4d: {  	[sflag:s21] =	ssyncset.done $0x0  }
0x4e: {  	[sflag:s21] =	ssyncadd.s32 $0xFFFFF000  }
0x4f: {  	_ =	swait.ge [sflag:s21], $0x1000  }
0x50: {  	[sflag:s21] =	ssyncset.done $0x0  }
0x51: {  	[sflag:s21] =	ssyncadd.s32 $0xFFFFF000  }
0x52: {  	_ =	swait.ge [sflag:s21], $0x1000  }
0x53: {  	[sflag:s21] =	ssyncset.done $0x0  }
0x54: {  	[sflag:s21] =	ssyncadd.s32 $0xFFFFF000  }
0x55: {  	_ =	swait.ge [sflag:s21], $0x1000  }
0x56: {  	[sflag:s21] =	ssyncset.done $0x0  }
0x57: {  	[sflag:s21] =	ssyncadd.s32 $0xFFFFF000  }
0x58: {  	_ =	swait.ge [sflag:s21], $0x1000  }
0x59: {  	[sflag:s21] =	ssyncset.done $0x0  }
0x5a: {  	[sflag:s21] =	ssyncadd.s32 $0xFFFFF000  }
0x5b: {  	_ =	swait.ge [sflag:s21], $0x1000  }
0x5c: {  	[sflag:s21] =	ssyncset.done $0x0  }
0x5d: {  	[sflag:s21] =	ssyncadd.s32 $0xFFFFF000  }
0x5e: {  	_ =	swait.ge [sflag:s21], $0x1000  }
.Ltmp1:
0x5f: {  	[sflag:s21] =	ssyncset.done $0x0;
	(pc) =	sbr.rel @p0 .LBB2_1-.Ltmp1, $4  }
0x60: {  	[sflag:s21] =	ssyncadd.s32 $0xFFFFF000  }
0x61: {  	[hbm4b:s22+s2] =	stream.linear.scatter [tilespmem:s7], [sflag:$0x2], $0x8000, $0x38;
	[tilespmem:$0x8400] =	vst v63  }
0x62: {  	_ =	swait.ge [sflag:s3], $0x8000  }
0x63: {  	[sflag:s3] =	ssyncset.done $0x0  }
.LBB2_2:
0x64: {  	[sflag:s3] =	ssyncadd.s32 $0xFFFF8000  }
0x65: {  	_ =	sfence.sel $0x180000  }
0x66: {  	[bflag:$0x0] =	sbarrier.arrive $0xFFFF  }
0x67: {  	p0 =	sne.s32 s0, $0x0;
	_ =	strace $0x9000004D  }
0x68: {  	s0 =	sadd.s32 @!p0 $0x100000, s1;
	[bflag:$0x2] =	sbarrier.arrive $0xFFFF  }
0x69: {  	[sflag:s0] =	ssyncadd.tile.s32 @!p0 $0x1;
	_ =	shalt  }
.Lfunc_end2:
_tile_overlayer_lowered:
.L_overlay_start_2:
0x6a: {  	(tag) =	ssettag $0x2  }
0x6b: {  	s0 =	rddreg [dreg:$0x0];
	s2 =	stileid.u32  }
0x6c: {  	s1 =	rddreg [dreg:$0x1];
	p0 =	sne.s32 s2, $0x0  }
0x6d: {  	s3 =	rddreg [dreg:$0x2];
	[bflag:$0x3] =	sbarrier.arrive $0xFFFF;
	s2 =	simm.s32 @!p0 $0x1C02  }
0x6e: {  	[timem:s3], [sflag:s2] =	dma.local @!p0 [hbm:s0], s1  }
0x6f: {  	s0 =	simm.s32 @!p0 $0x2  }
0x70: {  	_ =	swait.ge @!p0 [sflag:s0], s1  }
0x71: {  	s1 =	ssub.s32 @!p0 $0x0, s1;
	[sflag:s0] =	ssyncset.done @!p0 $0x0  }
0x72: {  	[sflag:s0] =	ssyncadd.s32 @!p0 s1  }
0x73: {  	[bflag:$0x3] =	sbarrier.arrive $0xFFFF  }
0x74: {  	_ =	shalt  }

// kernel: kernel.7.cloned.1.call-start
scs
__scs_entry_jumppad:
0x0: {  	(pc) =	sbr.rel $0x88, $3  }
0x1: {  	(tag) =	ssettag $0x0;
	lr =	simm.s32 $0x1  }
0x2: {  	[smem:$0x3F91] =	sst lr;
	_ =	strace $0xD0000000  }
0x3: {  	_ = 	snop  }
0x4: {  	_ = 	snop  }
0x5: {  	_ = 	snop  }
0x6: {  	_ = 	snop  }
0x7: {  	_ = 	snop  }
__scs_overlays_trampoline_lowered:
0x8: {  	[smem:$0x3FA0] =	sst s0  }
0x9: {  	[smem:$0x3FA1] =	sst s1  }
0xa: {  	[smem:$0x3FA2] =	sst s2  }
0xb: {  	[smem:$0x3FA3] =	sst s3  }
0xc: {  	[smem:$0x3FA4] =	sst s4  }
0xd: {  	[smem:$0x3FA5] =	sst s5  }
0xe: {  	[smem:$0x3FA6] =	sst s6  }
0xf: {  	[smem:$0x3FA7] =	sst s7  }
0x10: {  	[smem:$0x3FA8] =	sst s8  }
0x11: {  	[smem:$0x3FA9] =	sst s9;
	s0 =	simm.s32 @!p0 $0x0  }
0x12: {  	s1 =	sld [smem:$0x3F8F];
	s0 =	simm.s32 @p0 $0x1  }
0x13: {  	[smem:$0x3FAA] =	sst s0;
	s0 =	simm.s32 @!p1 $0x0  }
0x14: {  	s2 =	sld [smem:$0x3F8E];
	s0 =	simm.s32 @p1 $0x1  }
0x15: {  	[smem:$0x3FAB] =	sst s0;
	s0 =	simm.s32 @!p2 $0x0  }
0x16: {  	s3 =	sld [smem:$0x3FDB];
	s0 =	simm.s32 @p2 $0x1  }
0x17: {  	s4 =	simm.s32 $0x1BF5;
	[smem:$0x3FAD] =	sst s0  }
0x18: {  	s0 =	sld [smem:$0x3F90];
	_ =	swait.ge [sflag:s4], $0x0  }
0x19: {  	s7 =	sld [smem:$0x3F91]  }
0x1a: {  	s8 =	sadd.s32 $0xFFFFE003, lr  }
0x1b: {  	s9 =	sadd.s32 $0xFFFFFEF7, lr;
	s5 =	simm.s32 $0xFFFFFFFF;
	p2 =	slt.u32 s8, $0xFFFFF086  }
0x1c: {  	p1 =	slt.u32 s9, $0xF7A;
	s5 =	simm.s32 @!p2 $0x0  }
0x1d: {  	s5 =	simm.s32 @p1 $0x1;
	p0 =	seq.s32 s7, s2  }
0x1e: {  	s7 =	smul.u32 @!p0 $0xF7A, s2;
	p2 =	seq.s32 @!p0 s5, $0x0  }
0x1f: {  	s9 =	smul.u32 $0xF7A, s1;
	s8 =	simm.s32 @!p0 $0x1BF5;
	p2 =	por !p2, p0  }
0x20: {  	[sflag:s8] =	ssyncset.s32 @!p0 $0xFFFFF086;
	s6 =	sadd.s32 @!p0 s3, s7;
	s7 =	simm.s32 @!p0 $0x108  }
0x21: {  	s3 =	sadd.s32 s3, s9;
	s6 =	sadd.s32 @!p0 $0x88, s6;
	s7 =	simm.s32 @p2 $0x1082  }
0x22: {  	[simem:s7], [sflag:s8] =	dma.local @!p0 [hbm:s6], $0xF7A  }
0x23: {  	s9 =	sor.u32 $0xD0000000, s2;
	s6 =	simm.s32 $0x108;
	_ =	swait.ge @!p0 [sflag:s8], $0x0  }
0x24: {  	s3 =	sadd.s32 $0x88, s3;
	s6 =	simm.s32 @!p1 $0x1082;
	[sflag:s4] =	ssyncset.s32 $0xFFFFF086  }
0x25: {  	[simem:s6], [sflag:s4] =	dma.local [hbm:s3], $0xF7A  }
0x26: {  	[smem:$0x3F91] =	sst s1;
	(tag) =	ssettag s2;
	_ =	strace s9  }
0x27: {  	s1 =	sld [smem:$0x3FA1]  }
0x28: {  	s2 =	sld [smem:$0x3FA2]  }
0x29: {  	s4 =	sld [smem:$0x3FA4]  }
0x2a: {  	p0 =	seq.s32 s5, $0x0;
	s5 =	sld [smem:$0x3FA5]  }
0x2b: {  	s6 =	sld [smem:$0x3FA6]  }
0x2c: {  	s7 =	sld [smem:$0x3FA7]  }
0x2d: {  	s3 =	simm.s32 $0x108;
	s8 =	sld [smem:$0x3FA8]  }
0x2e: {  	s3 =	simm.s32 @!p0 $0x1082;
	s9 =	sld [smem:$0x3FA9]  }
0x2f: {  	lr =	sadd.s32 s0, s3;
	s0 =	sld [smem:$0x3FA0]  }
0x30: {  	s3 =	sld [smem:$0x3FA3]  }
0x31: {  	[smem:$0x3FAC] =	sst s10  }
0x32: {  	s10 =	sld [smem:$0x3FAA];
	_ =	sdelay $0x3  }
0x33: {  	p0 =	seq.s32 s10, $0x1;
	s10 =	sld [smem:$0x3FAC];
	_ =	sdelay $0x3  }
0x34: {  	[smem:$0x3FAC] =	sst s10  }
0x35: {  	s10 =	sld [smem:$0x3FAB];
	_ =	sdelay $0x3  }
0x36: {  	p1 =	seq.s32 s10, $0x1;
	s10 =	sld [smem:$0x3FAC];
	_ =	sdelay $0x3  }
0x37: {  	[smem:$0x3FAC] =	sst s10  }
0x38: {  	s10 =	sld [smem:$0x3FAD]  }
0x39: {  	_ = 	snop;
	(pc) =	sbr.ind lr, $3  }
0x3a: {  	_ = 	snop  }
0x3b: {  	_ = 	snop  }
0x3c: {  	p2 =	seq.s32 s10, $0x1;
	s10 =	sld [smem:$0x3FAC]  }
0x3d: {  	_ =	shalt  }
0x3e: {  	_ =	shalt  }
0x3f: {  	_ =	shalt  }
0x40: {  	_ =	shalt  }
0x41: {  	_ =	shalt  }
0x42: {  	_ =	shalt  }
0x43: {  	_ =	shalt  }
0x44: {  	_ =	shalt  }
0x45: {  	_ =	shalt  }
0x46: {  	_ =	shalt  }
0x47: {  	_ =	shalt  }
0x48: {  	_ =	shalt  }
0x49: {  	_ =	shalt  }
0x4a: {  	_ =	shalt  }
0x4b: {  	_ =	shalt  }
0x4c: {  	_ =	shalt  }
0x4d: {  	_ =	shalt  }
0x4e: {  	_ =	shalt  }
0x4f: {  	_ =	shalt  }
0x50: {  	_ =	shalt  }
0x51: {  	_ =	shalt  }
0x52: {  	_ =	shalt  }
0x53: {  	_ =	shalt  }
0x54: {  	_ =	shalt  }
0x55: {  	_ =	shalt  }
0x56: {  	_ =	shalt  }
0x57: {  	_ =	shalt  }
0x58: {  	_ =	shalt  }
0x59: {  	_ =	shalt  }
0x5a: {  	_ =	shalt  }
0x5b: {  	_ =	shalt  }
0x5c: {  	_ =	shalt  }
0x5d: {  	_ =	shalt  }
0x5e: {  	_ =	shalt  }
0x5f: {  	_ =	shalt  }
0x60: {  	_ =	shalt  }
0x61: {  	_ =	shalt  }
0x62: {  	_ =	shalt  }
0x63: {  	_ =	shalt  }
0x64: {  	_ =	shalt  }
0x65: {  	_ =	shalt  }
0x66: {  	_ =	shalt  }
0x67: {  	_ =	shalt  }
0x68: {  	_ =	shalt  }
0x69: {  	_ =	shalt  }
0x6a: {  	_ =	shalt  }
0x6b: {  	_ =	shalt  }
0x6c: {  	_ =	shalt  }
0x6d: {  	_ =	shalt  }
0x6e: {  	_ =	shalt  }
0x6f: {  	_ =	shalt  }
0x70: {  	_ =	shalt  }
0x71: {  	_ =	shalt  }
0x72: {  	_ =	shalt  }
0x73: {  	_ =	shalt  }
0x74: {  	_ =	shalt  }
0x75: {  	_ =	shalt  }
0x76: {  	_ =	shalt  }
0x77: {  	_ =	shalt  }
0x78: {  	_ =	shalt  }
0x79: {  	_ =	shalt  }
0x7a: {  	_ =	shalt  }
0x7b: {  	_ =	shalt  }
0x7c: {  	_ =	shalt  }
0x7d: {  	_ =	shalt  }
0x7e: {  	_ =	shalt  }
0x7f: {  	_ =	shalt  }
0x80: {  	_ =	shalt  }
0x81: {  	_ =	shalt  }
0x82: {  	_ =	shalt  }
0x83: {  	_ =	shalt  }
0x84: {  	_ =	shalt  }
0x85: {  	_ =	shalt  }
0x86: {  	_ =	shalt  }
0x87: {  	_ =	shalt  }
.Lfunc_end0:
.L_simem_size_0:
called_computation_lowered:
.L_overlay_start_0:
0x88: {  	s2 =	sld [smem:$0x3FD9]  }
0x89: {  	s3 =	sld [smem:$0x3FFE];
	_ =	sdelay $0x1  }
0x8a: {  	s1 =	srdreg.scid  }
0x8b: {  	s0 =	sand.u32 $0x1, s1  }
0x8c: {  	s16 =	sshll.u32 s0, $0xA;
	s2 =	sadd.s32 s3, s2  }
0x8d: {  	s2 =	sadd.s32 s2, s16  }
0x8e: {  	[smem:$0x3FB8] =	sst s2  }
0x8f: {  	_ = 	snop  }
0x90: {  	(tm) =	ssettm $0x1  }
0x91: {  	s17 =	sld [smem:$0x3FFB];
	_ =	sdelay $0x3  }
0x92: {  	_ =	strace s17  }
0x93: {  	s2 =	sld [smem:$0x3FFC];
	_ =	sdelay $0x3  }
0x94: {  	_ =	strace s2  }
0x95: {  	s2 =	sld [smem:$0x3FFD];
	_ =	sdelay $0x3  }
0x96: {  	_ =	strace s2  }
0x97: {  	_ =	strace $0x8FFFFFFF  }
0x98: {  	s18 =	sld [smem:$0x3FDB];
	_ =	sdelay $0x1  }
0x99: {  	s19 =	simm.s32 $_scs_section_size  }
0x9a: {  	s4 =	simm.s32 $_size__tile_overlayer_lowered;
	s5 =	simm.s32 $_tile_overlayer_lowered  }
0x9b: {  	s22 =	simm.s32 $0x1BFF;
	s21 =	sshll.u32 s5, $0x1;
	s2 =	sadd.s32 s19, s18  }
0x9c: {  	s6 =	simm.s32 $0x0;
	s20 =	sshll.u32 s4, $0x1;
	s4 =	sadd.s32 s21, s2  }
0x9d: {  	[timem:s6], [sflag:s22] =	dma.local [hbm:s4], s20  }
0x9e: {  	_ =	swait.ge [sflag:s22], s20  }
0x9f: {  	s3 =	ssub.s32 $0x0, s20;
	[sflag:s22] =	ssyncset.done $0x0  }
0xa0: {  	[sflag:s22] =	ssyncadd.s32 s3;
	_ =	sdelay $0x1  }
0xa1: {  	s23 =	simm.s32 $0x1B8B  }
0xa2: {  	_ =	swait.ge [sflag:s23], $0x1  }
0xa3: {  	[sflag:s23] =	ssyncset.done $0x0  }
0xa4: {  	s25 =	simm.s32 $0x1B8E;
	s24 =	sld [smem:$0x3FFE];
	[sflag:s23] =	ssyncadd.s32 $0xFFFFFFFF  }
0xa5: {  	s26 =	simm.s32 $execute0_lowered;
	[smem:$0x3FD2] =	sst s25  }
0xa6: {  	s4 =	sshll.u32 s26, $0x1;
	_ =	strace $0x80000046;
	[dreg:$0x1] =	wrdreg $0xFFFFFFFF  }
0xa7: {  	s28 =	simm.s32 $_size_execute0_lowered;
	s2 =	sadd.s32 s2, s4;
	[dreg:$0x0] =	wrdreg $0x0  }
0xa8: {  	s4 =	sshll.u32 s28, $0x1;
	[dreg:$0x2] =	wrdreg s2  }
0xa9: {  	[dreg:$0x3] =	wrdreg s4  }
0xaa: {  	[dreg:$0x4] =	wrdreg $0xC0  }
0xab: {  	_ =	task [dreg:s6], $0x5FFFF  }
0xac: {  	[dreg:$0x1] =	wrdreg $0xFFFFFFFF  }
0xad: {  	[dreg:$0x0] =	wrdreg $0x60  }
0xae: {  	[dreg:$0x2] =	wrdreg s24  }
0xaf: {  	[dreg:$0x3] =	wrdreg $0x9  }
0xb0: {  	_ =	task.clear_ibuf [dreg:s6], $0x4FFFF;
	_ =	strace $0x90000046  }
0xb1: {  	s29 =	simm.s32 $0x9;
	_ =	strace $0x80000048  }
0xb2: {  	_ =	swait.ge [sflag:s29], $0x1  }
0xb3: {  	[sflag:s29] =	ssyncadd.s32 $0xFFFFFFFF  }
0xb4: {  	_ =	strace $0x90000048  }
0xb5: {  	_ =	sfence  }
0xb6: {  	s30 =	sld [smem:$0x0];
	_ =	sdelay $0x2  }
0xb7: {  	s31 =	sshll.u32 s1, $0xD;
	s1 =	sshrl.u32 s1, $0x2  }
0xb8: {  	s3 =	sand.u32 $0x4000, s31;
	s1 =	sadd.s32 s1, s30  }
0xb9: {  	s0 =	sor.u32 s3, s0;
	s1 =	sshll.u32 s1, $0x11  }
0xba: {  	s0 =	sor.u32 s1, s0  }
0xbb: {  	s0 =	sadd.s32 $0x8F2B, s0  }
0xbc: {  	[sflag:s0] =	ssyncadd.remote.s32 $0x1  }
0xbd: {  	_ =	sfence.sel $0xFFFF  }
0xbe: {  	[dreg:$0x0] =	wrdreg $0xFFFFFFFF;
	(pc) =	sbr.abs _section_cstart, $3  }
0xbf: {  	[dreg:$0x1] =	wrdreg $0xFFFFFFFF  }
0xc0: {  	_ =	task.clear_ibuf [dreg:s6], $0x2FFFF;
	_ =	strace $0x9FFFFFFF  }
0xc1: {  	(tm) =	ssettm $0x7FFFFFFF  }
tec
execute0_lowered:
.L_overlay_start_1:
0x0: {  	(tag) =	ssettag $0x1  }
0x1: {  	s1 =	srdreg.scid;
	s0 =	stileid.u32  }
0x2: {  	s23 =	sand.u32 $0x1, s1;
	s31 =	sshll.u32 s0, $0x1  }
0x3: {  	s22 =	rddreg [dreg:$0x0];
	s24 =	sor.u32 s23, s31  }
0x4: {  	s2 =	simm.s32 $0x0;
	s1 =	rddreg [dreg:$0x1];
	s3 =	sshll.u32 s24, $0x7  }
0x5: {  	[smem:$0x7FF] =	sst s2;
	s3 =	sadd.s32 s3, s22  }
0x6: {  	_ =	strace $0x80000047;
	s4 =	sadd.s32 $0x3C00, s3;
	s3 =	simm.s32 $0x2  }
0x7: {  	[tilespmem:s2], [sflag:$0x2] =	stream.linear.gather [hbm4b:s4+s2], $0x400, $0x38;
	[tilespmem:$0x8400] =	vst v63  }
0x8: {  	_ =	swait.ge [sflag:s3], $0x400  }
0x9: {  	s6 =	simm.s32 $0x80;
	[sflag:s3] =	ssyncset.done $0x0  }
0xa: {  	s7 =	simm.s32 $0x400;
	s5 =	sadd.s32 $0xF46000, s22;
	[sflag:s3] =	ssyncadd.s32 $0xFFFFFC00  }
0xb: {  	[tilespmem:s7], [sflag:$0x1] =	stream.indirect.gather [hbm4b:s5+s6], $0x20, s2, s6, $0xb8;
	[tilespmem:$0x8400] =	vst v63  }
0xc: {  	s8 =	simm.s32 $0x1400  }
0xd: {  	[tilespmem:s8], [sflag:$0x1] =	stream.indirect.gather [hbm4b:s5+s6], $0x20, s6, s6, $0xb8;
	[tilespmem:$0x8400] =	vst v63  }
0xe: {  	s9 =	simm.s32 $0x100;
	s10 =	simm.s32 $0x2400  }
0xf: {  	[tilespmem:s10], [sflag:$0x1] =	stream.indirect.gather [hbm4b:s5+s6], $0x20, s9, s6, $0xb8;
	[tilespmem:$0x8400] =	vst v63  }
0x10: {  	s11 =	simm.s32 $0x180;
	s12 =	simm.s32 $0x3400  }
0x11: {  	[tilespmem:s12], [sflag:$0x1] =	stream.indirect.gather [hbm4b:s5+s6], $0x20, s11, s6, $0xb8;
	[tilespmem:$0x8400] =	vst v63  }
0x12: {  	s13 =	simm.s32 $0x200;
	s14 =	simm.s32 $0x4400  }
0x13: {  	[tilespmem:s14], [sflag:$0x1] =	stream.indirect.gather [hbm4b:s5+s6], $0x20, s13, s6, $0xb8;
	[tilespmem:$0x8400] =	vst v63  }
0x14: {  	s15 =	simm.s32 $0x280;
	s16 =	simm.s32 $0x5400  }
0x15: {  	[tilespmem:s16], [sflag:$0x1] =	stream.indirect.gather [hbm4b:s5+s6], $0x20, s15, s6, $0xb8;
	[tilespmem:$0x8400] =	vst v63  }
0x16: {  	s17 =	simm.s32 $0x300;
	s18 =	simm.s32 $0x6400  }
0x17: {  	[tilespmem:s18], [sflag:$0x1] =	stream.indirect.gather [hbm4b:s5+s6], $0x20, s17, s6, $0xb8;
	[tilespmem:$0x8400] =	vst v63  }
0x18: {  	s19 =	simm.s32 $0x380;
	s20 =	simm.s32 $0x7400;
	s21 =	simm.s32 $0x1  }
0x19: {  	[tilespmem:s20], [sflag:$0x1] =	stream.indirect.gather [hbm4b:s5+s6], $0x20, s19, s6, $0xb8;
	[tilespmem:$0x8400] =	vst v63  }
0x1a: {  	_ =	swait.ge [sflag:s21], $0x1000  }
0x1b: {  	[sflag:s21] =	ssyncset.done $0x0  }
0x1c: {  	[sflag:s21] =	ssyncadd.s32 $0xFFFFF000  }
0x1d: {  	_ =	swait.ge [sflag:s21], $0x1000  }
0x1e: {  	[sflag:s21] =	ssyncset.done $0x0  }
0x1f: {  	[sflag:s21] =	ssyncadd.s32 $0xFFFFF000  }
0x20: {  	_ =	swait.ge [sflag:s21], $0x1000  }
0x21: {  	[sflag:s21] =	ssyncset.done $0x0  }
0x22: {  	[sflag:s21] =	ssyncadd.s32 $0xFFFFF000  }
0x23: {  	_ =	swait.ge [sflag:s21], $0x1000  }
0x24: {  	[sflag:s21] =	ssyncset.done $0x0  }
0x25: {  	[sflag:s21] =	ssyncadd.s32 $0xFFFFF000  }
0x26: {  	_ =	swait.ge [sflag:s21], $0x1000  }
0x27: {  	[sflag:s21] =	ssyncset.done $0x0  }
0x28: {  	[sflag:s21] =	ssyncadd.s32 $0xFFFFF000  }
0x29: {  	_ =	swait.ge [sflag:s21], $0x1000  }
0x2a: {  	[sflag:s21] =	ssyncset.done $0x0  }
0x2b: {  	s23 =	ssub.s32 $0x2, s23;
	[sflag:s21] =	ssyncadd.s32 $0xFFFFF000  }
0x2c: {  	s25 =	sshrl.u32 s23, $0x1;
	_ =	swait.ge [sflag:s21], $0x1000  }
0x2d: {  	s23 =	ssub.s32 s23, s25;
	[sflag:s21] =	ssyncset.done $0x0  }
0x2e: {  	s23 =	smax.u32 s23, $0x1;
	[sflag:s21] =	ssyncadd.s32 $0xFFFFF000  }
0x2f: {  	s24 =	sshll.u32 s24, $0xC;
	p0 =	sne.s32 s23, $0x1;
	_ =	swait.ge [sflag:s21], $0x1000  }
.Ltmp0:
0x30: {  	s22 =	sadd.s32 s24, s22;
	[sflag:s21] =	ssyncset.done $0x0;
	(pc) =	sbr.rel @!p0 .LBB2_2-.Ltmp0, $4  }
0x31: {  	s22 =	sadd.s32 $0x4C00, s22;
	[sflag:s21] =	ssyncadd.s32 $0xFFFFF000  }
0x32: {  	[hbm4b:s22+s2] =	stream.linear.scatter [tilespmem:s7], [sflag:$0x2], $0x8000, $0x38;
	[tilespmem:$0x8400] =	vst v63  }
0x33: {  	_ =	swait.ge [sflag:s3], $0x8000  }
0x34: {  	s23 =	sadd.s32 $0xFFFFFFFF, s23;
	[sflag:s3] =	ssyncset.done $0x0  }
.LBB2_1:
0x35: {  	p0 =	sne.s32 s23, $0x1;
	s23 =	sadd.s32 $0xFFFFFFFF, s23;
	[sflag:s3] =	ssyncadd.s32 $0xFFFF8000  }
0x36: {  	[tilespmem:s2], [sflag:$0x2] =	stream.linear.gather [hbm4b:s4+s2], $0x400, $0x38;
	[tilespmem:$0x8400] =	vst v63  }
0x37: {  	_ =	swait.ge [sflag:s3], $0x400  }
0x38: {  	[sflag:s3] =	ssyncset.done $0x0  }
0x39: {  	[sflag:s3] =	ssyncadd.s32 $0xFFFFFC00  }
0x3a: {  	[tilespmem:s7], [sflag:$0x1] =	stream.indirect.gather [hbm4b:s5+s6], $0x20, s2, s6, $0xb8;
	[tilespmem:$0x8400] =	vst v63  }
0x3b: {  	_ = 	snop  }
0x3c: {  	[tilespmem:s8], [sflag:$0x1] =	stream.indirect.gather [hbm4b:s5+s6], $0x20, s6, s6, $0xb8;
	[tilespmem:$0x8400] =	vst v63  }
0x3d: {  	_ = 	snop  }
0x3e: {  	[tilespmem:s10], [sflag:$0x1] =	stream.indirect.gather [hbm4b:s5+s6], $0x20, s9, s6, $0xb8;
	[tilespmem:$0x8400] =	vst v63  }
0x3f: {  	_ = 	snop  }
0x40: {  	[tilespmem:s12], [sflag:$0x1] =	stream.indirect.gather [hbm4b:s5+s6], $0x20, s11, s6, $0xb8;
	[tilespmem:$0x8400] =	vst v63  }
0x41: {  	_ = 	snop  }
0x42: {  	[tilespmem:s14], [sflag:$0x1] =	stream.indirect.gather [hbm4b:s5+s6], $0x20, s13, s6, $0xb8;
	[tilespmem:$0x8400] =	vst v63  }
0x43: {  	_ = 	snop  }
0x44: {  	[tilespmem:s16], [sflag:$0x1] =	stream.indirect.gather [hbm4b:s5+s6], $0x20, s15, s6, $0xb8;
	[tilespmem:$0x8400] =	vst v63  }
0x45: {  	_ = 	snop  }
0x46: {  	[tilespmem:s18], [sflag:$0x1] =	stream.indirect.gather [hbm4b:s5+s6], $0x20, s17, s6, $0xb8;
	[tilespmem:$0x8400] =	vst v63  }
0x47: {  	_ = 	snop  }
0x48: {  	[tilespmem:s20], [sflag:$0x1] =	stream.indirect.gather [hbm4b:s5+s6], $0x20, s19, s6, $0xb8;
	[tilespmem:$0x8400] =	vst v63  }
0x49: {  	_ =	swait.ge [sflag:s21], $0x1000  }
0x4a: {  	[sflag:s21] =	ssyncset.done $0x0  }
0x4b: {  	[sflag:s21] =	ssyncadd.s32 $0xFFFFF000  }
0x4c: {  	_ =	swait.ge [sflag:s21], $0x1000  }
0x4d: {  	[sflag:s21] =	ssyncset.done $0x0  }
0x4e: {  	[sflag:s21] =	ssyncadd.s32 $0xFFFFF000  }
0x4f: {  	_ =	swait.ge [sflag:s21], $0x1000  }
0x50: {  	[sflag:s21] =	ssyncset.done $0x0  }
0x51: {  	[sflag:s21] =	ssyncadd.s32 $0xFFFFF000  }
0x52: {  	_ =	swait.ge [sflag:s21], $0x1000  }
0x53: {  	[sflag:s21] =	ssyncset.done $0x0  }
0x54: {  	[sflag:s21] =	ssyncadd.s32 $0xFFFFF000  }
0x55: {  	_ =	swait.ge [sflag:s21], $0x1000  }
0x56: {  	[sflag:s21] =	ssyncset.done $0x0  }
0x57: {  	[sflag:s21] =	ssyncadd.s32 $0xFFFFF000  }
0x58: {  	_ =	swait.ge [sflag:s21], $0x1000  }
0x59: {  	[sflag:s21] =	ssyncset.done $0x0  }
0x5a: {  	[sflag:s21] =	ssyncadd.s32 $0xFFFFF000  }
0x5b: {  	_ =	swait.ge [sflag:s21], $0x1000  }
0x5c: {  	[sflag:s21] =	ssyncset.done $0x0  }
0x5d: {  	[sflag:s21] =	ssyncadd.s32 $0xFFFFF000  }
0x5e: {  	_ =	swait.ge [sflag:s21], $0x1000  }
.Ltmp1:
0x5f: {  	[sflag:s21] =	ssyncset.done $0x0;
	(pc) =	sbr.rel @p0 .LBB2_1-.Ltmp1, $4  }
0x60: {  	[sflag:s21] =	ssyncadd.s32 $0xFFFFF000  }
0x61: {  	[hbm4b:s22+s2] =	stream.linear.scatter [tilespmem:s7], [sflag:$0x2], $0x8000, $0x38;
	[tilespmem:$0x8400] =	vst v63  }
0x62: {  	_ =	swait.ge [sflag:s3], $0x8000  }
0x63: {  	[sflag:s3] =	ssyncset.done $0x0  }
.LBB2_2:
0x64: {  	[sflag:s3] =	ssyncadd.s32 $0xFFFF8000  }
0x65: {  	_ =	sfence.sel $0x180000  }
0x66: {  	[bflag:$0x0] =	sbarrier.arrive $0xFFFF  }
0x67: {  	p0 =	sne.s32 s0, $0x0;
	_ =	strace $0x90000047  }
0x68: {  	s0 =	sadd.s32 @!p0 $0x100000, s1;
	[bflag:$0x2] =	sbarrier.arrive $0xFFFF  }
0x69: {  	[sflag:s0] =	ssyncadd.tile.s32 @!p0 $0x1;
	_ =	shalt  }
.Lfunc_end2:
_tile_overlayer_lowered:
.L_overlay_start_2:
0x6a: {  	(tag) =	ssettag $0x2  }
0x6b: {  	s0 =	rddreg [dreg:$0x0];
	s2 =	stileid.u32  }
0x6c: {  	s1 =	rddreg [dreg:$0x1];
	p0 =	sne.s32 s2, $0x0  }
0x6d: {  	s3 =	rddreg [dreg:$0x2];
	[bflag:$0x3] =	sbarrier.arrive $0xFFFF;
	s2 =	simm.s32 @!p0 $0x1C02  }
0x6e: {  	[timem:s3], [sflag:s2] =	dma.local @!p0 [hbm:s0], s1  }
0x6f: {  	s0 =	simm.s32 @!p0 $0x2  }
0x70: {  	_ =	swait.ge @!p0 [sflag:s0], s1  }
0x71: {  	s1 =	ssub.s32 @!p0 $0x0, s1;
	[sflag:s0] =	ssyncset.done @!p0 $0x0  }
0x72: {  	[sflag:s0] =	ssyncadd.s32 @!p0 s1  }
0x73: {  	[bflag:$0x3] =	sbarrier.arrive $0xFFFF  }
0x74: {  	_ =	shalt  }

</sc_bundles>
